<compile_context>
chip_gen: v7x
topology: tpu7x:2x2x1
jax: 0.10.2.dev20260603
libtpu: 0.0.44.dev20260713+nightly
codegen_flags: <defaults>
</compile_context>

<pallas_src>
import jax
import jax.numpy as jnp
from jax import lax
from jax.experimental import pallas as pl
from jax.experimental.pallas import tpu as pltpu
from jax.experimental.pallas import tpu_sc as plsc

NF = 26
V = 100000
B = 16384
NC, NS, L = 2, 16, 16
HB = B // 2
RPT = HB // NS
GCH = 2048
NCH = HB // GCH
RCH = 128

_CP = pltpu.CompilerParams(needs_layout_passes=False)
_MESH = dict(core_axis_name="c", subcore_axis_name="s",
             num_cores=NC, num_subcores=NS)


def _main_body(xt_hbm, t2d_hbm, out2_hbm,
               val_sh, trow, idx0, idx1, val0, val1, red, outq, tsem, isem, osem):
    c_id = lax.axis_index("c")
    s_id = lax.axis_index("s")
    wid = s_id * NC + c_id

    @pl.when(wid < NF)
    def _():
        pltpu.async_copy(t2d_hbm.at[wid], trow, tsem)

    idxs = (idx0, idx1)
    vals = (val0, val1)

    for h in range(2):
        @pl.when(wid < NF)
        def _():
            def in_cp(cb):
                return pltpu.make_async_copy(
                    xt_hbm.at[wid, pl.ds(h * HB + cb * GCH, GCH)], idxs[cb % 2], isem)

            def out_cp(cb):
                return pltpu.make_async_copy(
                    vals[cb % 2], val_sh.at[wid, pl.ds(cb * GCH, GCH)], osem)

            pltpu.async_copy(
                xt_hbm.at[wid, pl.ds(h * HB, GCH)], idxs[0], isem)
            if h == 0:
                pltpu.make_async_copy(t2d_hbm.at[wid], trow, tsem).wait()
            for cb in range(NCH):
                in_cp(cb).wait()
                if cb >= 2:
                    out_cp(cb - 2).wait()
                if cb + 1 < NCH:
                    pltpu.async_copy(
                        xt_hbm.at[wid, pl.ds(h * HB + (cb + 1) * GCH, GCH)],
                        idxs[(cb + 1) % 2], isem)
                ib, vb = idxs[cb % 2], vals[cb % 2]

                @plsc.parallel_loop(0, GCH, step=L, unroll=8)
                def _(off):
                    vb[pl.ds(off, L)] = plsc.load_gather(trow, [ib[pl.ds(off, L)]])
                pltpu.async_copy(vb, val_sh.at[wid, pl.ds(cb * GCH, GCH)], osem)
            out_cp(NCH - 2).wait()
            out_cp(NCH - 1).wait()
        plsc.subcore_barrier()

        def chunk_c(q, _):
            col0 = s_id * RPT + q * RCH
            pltpu.sync_copy(val_sh.at[:, pl.ds(col0, RCH)], red)

            def rv(v, _):
                acc = red[c_id, pl.ds(v * L, L)]
                for j in range(1, 13):
                    acc = acc + red[2 * j + c_id, pl.ds(v * L, L)]
                outq[pl.ds(q * RCH + v * L, L)] = acc
                return 0
            lax.fori_loop(0, RCH // L, rv, 0)
            return 0
        lax.fori_loop(0, RPT // RCH, chunk_c, 0)
        pltpu.sync_copy(outq, out2_hbm.at[c_id, pl.ds(h * HB + s_id * RPT, RPT)])
        if h == 0:
            plsc.subcore_barrier()


def _tc_add_body(p_ref, o_ref):
    o_ref[...] = p_ref[0, :] + p_ref[1, :]


def kernel(X, table):
    xt = X.T
    t2d = table.reshape(NF, V)

    out2 = pl.kernel(
        _main_body,
        out_type=jax.ShapeDtypeStruct((NC, B), jnp.float32),
        mesh=plsc.VectorSubcoreMesh(**_MESH),
        scratch_types=[
            pltpu.VMEM_SHARED((32, HB), jnp.float32),
            pltpu.VMEM((V,), jnp.float32),
            pltpu.VMEM((GCH,), jnp.int32),
            pltpu.VMEM((GCH,), jnp.int32),
            pltpu.VMEM((GCH,), jnp.float32),
            pltpu.VMEM((GCH,), jnp.float32),
            pltpu.VMEM((32, RCH), jnp.float32),
            pltpu.VMEM((RPT,), jnp.float32),
            pltpu.SemaphoreType.DMA,
            pltpu.SemaphoreType.DMA,
            pltpu.SemaphoreType.DMA,
        ],
        compiler_params=_CP,
    )(xt, t2d)

    out = out2[0] + out2[1]
    return out.reshape(B, 1)

# --- scband reference (transcript-rebuilt; emitter-appended) ---
"""Pipeline reference for scband-base-model-9706626089244 (READ-ONLY COPY).

The authoritative reference and input builder live on the scoring server;
editing this copy changes nothing except your own understanding.
"""

import jax, jax.numpy as jnp
import numpy as np

NUM_FIELDS = 26
VOCAB = 100000
BATCH = 16384
INIT_STD = 0.0001


def setup_inputs(seed: int = 0) -> dict:
    key = jax.random.key(seed)
    k1, k2 = jax.random.split(key)
    # X holds per-field sparse ids (deepctr packs them as one wide int matrix)
    X = jax.random.randint(k1, (BATCH, NUM_FIELDS), 0, VOCAB, dtype=jnp.int32)
    # one dim-1 embedding table per sparse field (linear part of the model),
    # stacked into a single [F, V, 1] tensor; initialized ~ N(0, init_std)
    table = INIT_STD * jax.random.normal(k2, (NUM_FIELDS, VOCAB, 1), dtype=jnp.float32)
    return {"X": X, "table": table}


def reference(X, table):
    # Faithful translation of Linear.forward for the sparse-feature path:
    #   sparse_embedding_list = [emb_f(X[:, f]) for f in fields]  -> each [B, 1, 1]
    #   cat along last dim -> [B, 1, F]; sum over last dim -> [B, 1]
    #   linear_logit = zeros([B, 1]) + sparse_feat_logit
    field_idx = jnp.arange(NUM_FIELDS)[None, :]          # [1, F]
    emb = table[field_idx, X]                            # gather -> [B, F, 1]
    sparse_feat_logit = jnp.sum(emb, axis=1)             # [B, 1] (sum over concat dim)
    linear_logit = jnp.zeros((X.shape[0], 1), dtype=emb.dtype) + sparse_feat_logit
    return linear_logit

if __name__ == "__main__":
    import jax
    _d = setup_inputs()
    print(jax.jit(kernel)(*tuple(_d.values())))

</pallas_src>

<mosaic_0001>
#map = affine_map<(d0, d1) -> (0, 0)>
module attributes {stable_mosaic.version = 14 : i64} {
  func.func @_main_body(%arg0: i32, %arg1: i32, %arg2: memref<26x16384xi32, #tpu.memory_space<hbm>>, %arg3: memref<26x100000xf32, #tpu.memory_space<hbm>>, %arg4: memref<2x16384xf32, #tpu.memory_space<hbm>>, %arg5: memref<32x8192xf32, #tpu.memory_space<vmem_shared>>, %arg6: memref<100000xf32, #tpu.memory_space<vmem>>, %arg7: memref<2048xi32, #tpu.memory_space<vmem>>, %arg8: memref<2048xi32, #tpu.memory_space<vmem>>, %arg9: memref<2048xf32, #tpu.memory_space<vmem>>, %arg10: memref<2048xf32, #tpu.memory_space<vmem>>, %arg11: memref<32x128xf32, #tpu.memory_space<vmem>>, %arg12: memref<512xf32, #tpu.memory_space<vmem>>, %arg13: memref<!tpu.dma_semaphore, #tpu.memory_space<semaphore_mem>>, %arg14: memref<!tpu.dma_semaphore, #tpu.memory_space<semaphore_mem>>, %arg15: memref<!tpu.dma_semaphore, #tpu.memory_space<semaphore_mem>>) attributes {dimension_semantics = [#tpu.dimension_semantics<core_parallel>, #tpu.dimension_semantics<subcore_parallel>], iteration_bounds = array<i64: 2, 16>, scalar_prefetch = 0 : i64, scratch_operands = 11 : i64, tpu.core_type = #tpu.core_type<sc_vector_subcore>, window_params = [{transform_indices = #map}, {transform_indices = #map}, {transform_indices = #map}]} {
    %mul3A = arith.constant 2 : i32
    %mul3A_0 = arith.muli %arg1, %mul3A : i32
    %add3A = arith.addi %mul3A_0, %arg0 : i32
    %lt3A = arith.constant 26 : i32
    %lt3A_1 = arith.cmpi slt, %add3A, %lt3A : i32
    %convert_element_type3A = arith.extui %lt3A_1 : i1 to i32
    %cond3A = arith.constant 0 : i32
    %cond3A_2 = arith.cmpi ne, %convert_element_type3A, %cond3A : i32
    scf.if %cond3A_2 {
      %dma_start3A = arith.constant 0 : i32
      %dma_start3A_36 = tpu.memref_slice %arg3[%add3A, %dma_start3A] : memref<26x100000xf32, #tpu.memory_space<hbm>> -> memref<1x100000xf32, #tpu.memory_space<hbm>>
      %dma_start3A_37 = tpu.memref_squeeze %dma_start3A_36 : memref<1x100000xf32, #tpu.memory_space<hbm>> -> memref<100000xf32, #tpu.memory_space<hbm>>
      %dma_start3A_38 = arith.constant 0 : i32
      %dma_start3A_39 = tpu.memref_slice %arg3[%add3A, %dma_start3A_38] : memref<26x100000xf32, #tpu.memory_space<hbm>> -> memref<1x100000xf32, #tpu.memory_space<hbm>>
      %dma_start3A_40 = tpu.memref_squeeze %dma_start3A_39 : memref<1x100000xf32, #tpu.memory_space<hbm>> -> memref<100000xf32, #tpu.memory_space<hbm>>
      tpu.enqueue_dma source(%dma_start3A_40 : memref<100000xf32, #tpu.memory_space<hbm>>) target(%arg6 : memref<100000xf32, #tpu.memory_space<vmem>>) target_semaphore(%arg13 : memref<!tpu.dma_semaphore, #tpu.memory_space<semaphore_mem>>)
    } else {
    }
    %lt3A_3 = arith.constant 26 : i32
    %lt3A_4 = arith.cmpi slt, %add3A, %lt3A_3 : i32
    %convert_element_type3A_5 = arith.extui %lt3A_4 : i1 to i32
    %cond3A_6 = arith.constant 0 : i32
    %cond3A_7 = arith.cmpi ne, %convert_element_type3A_5, %cond3A_6 : i32
    scf.if %cond3A_7 {
      %dma_start3A = arith.constant 0 : i32
      %dma_start3A_36 = tpu.memref_slice %arg2[%add3A, %dma_start3A] : memref<26x16384xi32, #tpu.memory_space<hbm>> -> memref<1x2048xi32, #tpu.memory_space<hbm>>
      %dma_start3A_37 = tpu.memref_squeeze %dma_start3A_36 : memref<1x2048xi32, #tpu.memory_space<hbm>> -> memref<2048xi32, #tpu.memory_space<hbm>>
      %dma_start3A_38 = arith.constant 0 : i32
      %dma_start3A_39 = tpu.memref_slice %arg2[%add3A, %dma_start3A_38] : memref<26x16384xi32, #tpu.memory_space<hbm>> -> memref<1x2048xi32, #tpu.memory_space<hbm>>
      %dma_start3A_40 = tpu.memref_squeeze %dma_start3A_39 : memref<1x2048xi32, #tpu.memory_space<hbm>> -> memref<2048xi32, #tpu.memory_space<hbm>>
      tpu.enqueue_dma source(%dma_start3A_40 : memref<2048xi32, #tpu.memory_space<hbm>>) target(%arg7 : memref<2048xi32, #tpu.memory_space<vmem>>) target_semaphore(%arg14 : memref<!tpu.dma_semaphore, #tpu.memory_space<semaphore_mem>>)
      %dma_wait3A = arith.constant 0 : i32
      %dma_wait3A_41 = tpu.memref_slice %arg3[%add3A, %dma_wait3A] : memref<26x100000xf32, #tpu.memory_space<hbm>> -> memref<1x100000xf32, #tpu.memory_space<hbm>>
      %dma_wait3A_42 = tpu.memref_squeeze %dma_wait3A_41 : memref<1x100000xf32, #tpu.memory_space<hbm>> -> memref<100000xf32, #tpu.memory_space<hbm>>
      %dma_wait3A_43 = arith.constant 0 : i32
      %dma_wait3A_44 = tpu.memref_slice %arg3[%add3A, %dma_wait3A_43] : memref<26x100000xf32, #tpu.memory_space<hbm>> -> memref<1x100000xf32, #tpu.memory_space<hbm>>
      %dma_wait3A_45 = tpu.memref_squeeze %dma_wait3A_44 : memref<1x100000xf32, #tpu.memory_space<hbm>> -> memref<100000xf32, #tpu.memory_space<hbm>>
      tpu.wait_dma2 semaphore(%arg13 : memref<!tpu.dma_semaphore, #tpu.memory_space<semaphore_mem>>) src(%dma_wait3A_45 : memref<100000xf32, #tpu.memory_space<hbm>>) dst(%arg6 : memref<100000xf32, #tpu.memory_space<vmem>>)
      %dma_wait3A_46 = arith.constant 0 : i32
      %dma_wait3A_47 = tpu.memref_slice %arg2[%add3A, %dma_wait3A_46] : memref<26x16384xi32, #tpu.memory_space<hbm>> -> memref<1x2048xi32, #tpu.memory_space<hbm>>
      %dma_wait3A_48 = tpu.memref_squeeze %dma_wait3A_47 : memref<1x2048xi32, #tpu.memory_space<hbm>> -> memref<2048xi32, #tpu.memory_space<hbm>>
      %dma_wait3A_49 = arith.constant 0 : i32
      %dma_wait3A_50 = tpu.memref_slice %arg2[%add3A, %dma_wait3A_49] : memref<26x16384xi32, #tpu.memory_space<hbm>> -> memref<1x2048xi32, #tpu.memory_space<hbm>>
      %dma_wait3A_51 = tpu.memref_squeeze %dma_wait3A_50 : memref<1x2048xi32, #tpu.memory_space<hbm>> -> memref<2048xi32, #tpu.memory_space<hbm>>
      tpu.wait_dma2 semaphore(%arg14 : memref<!tpu.dma_semaphore, #tpu.memory_space<semaphore_mem>>) src(%dma_wait3A_51 : memref<2048xi32, #tpu.memory_space<hbm>>) dst(%arg7 : memref<2048xi32, #tpu.memory_space<vmem>>)
      %dma_start3A_52 = arith.constant 2048 : i32
      %dma_start3A_53 = tpu.memref_slice %arg2[%add3A, %dma_start3A_52] : memref<26x16384xi32, #tpu.memory_space<hbm>> -> memref<1x2048xi32, #tpu.memory_space<hbm>>
      %dma_start3A_54 = tpu.memref_squeeze %dma_start3A_53 : memref<1x2048xi32, #tpu.memory_space<hbm>> -> memref<2048xi32, #tpu.memory_space<hbm>>
      %dma_start3A_55 = arith.constant 2048 : i32
      %dma_start3A_56 = tpu.memref_slice %arg2[%add3A, %dma_start3A_55] : memref<26x16384xi32, #tpu.memory_space<hbm>> -> memref<1x2048xi32, #tpu.memory_space<hbm>>
      %dma_start3A_57 = tpu.memref_squeeze %dma_start3A_56 : memref<1x2048xi32, #tpu.memory_space<hbm>> -> memref<2048xi32, #tpu.memory_space<hbm>>
      tpu.enqueue_dma source(%dma_start3A_57 : memref<2048xi32, #tpu.memory_space<hbm>>) target(%arg8 : memref<2048xi32, #tpu.memory_space<vmem>>) target_semaphore(%arg14 : memref<!tpu.dma_semaphore, #tpu.memory_space<semaphore_mem>>)
      %parallel_loop3A = arith.constant 0 : i32
      %parallel_loop3A_58 = arith.constant 2048 : i32
      %parallel_loop3A_59 = arith.constant 16 : i32
      scf.for %parallel_loop3A_147 = %parallel_loop3A to %parallel_loop3A_58 step %parallel_loop3A_59  : i32 {
        %parallel_loop3A_148 = arith.index_cast %parallel_loop3A_147 : i32 to index
        %parallel_loop3A_149 = tpu.vector_load %arg7[%parallel_loop3A_148] {strides = array<i32>} : memref<2048xi32, #tpu.memory_space<vmem>>, vector<16xi32>,
        %parallel_loop3A_150 = tpu.vector_load_idx %arg6[%parallel_loop3A_149] : memref<100000xf32, #tpu.memory_space<vmem>>[vector<16xi32>], vector<16xf32>,
        %parallel_loop3A_151 = arith.index_cast %parallel_loop3A_147 : i32 to index
        %parallel_loop3A_152 = tpu.vector_load %arg9[%parallel_loop3A_151] {strides = array<i32>} : memref<2048xf32, #tpu.memory_space<vmem>>, vector<16xf32>,
        tpu.vector_store %arg9[%parallel_loop3A_151], %parallel_loop3A_150 {strides = array<i32>} : memref<2048xf32, #tpu.memory_space<vmem>>, vector<16xf32>,
      } {sc.loop_unroll_factor = 8 : i64, sc.parallel_access}
      %dma_start3A_60 = arith.constant 0 : i32
      %dma_start3A_61 = tpu.memref_slice %arg5[%add3A, %dma_start3A_60] : memref<32x8192xf32, #tpu.memory_space<vmem_shared>> -> memref<1x2048xf32, #tpu.memory_space<vmem_shared>>
      %dma_start3A_62 = tpu.memref_squeeze %dma_start3A_61 : memref<1x2048xf32, #tpu.memory_space<vmem_shared>> -> memref<2048xf32, #tpu.memory_space<vmem_shared>>
      %dma_start3A_63 = arith.constant 0 : i32
      %dma_start3A_64 = tpu.memref_slice %arg5[%add3A, %dma_start3A_63] : memref<32x8192xf32, #tpu.memory_space<vmem_shared>> -> memref<1x2048xf32, #tpu.memory_space<vmem_shared>>
      %dma_start3A_65 = tpu.memref_squeeze %dma_start3A_64 : memref<1x2048xf32, #tpu.memory_space<vmem_shared>> -> memref<2048xf32, #tpu.memory_space<vmem_shared>>
      tpu.enqueue_dma source(%arg9 : memref<2048xf32, #tpu.memory_space<vmem>>) target(%dma_start3A_65 : memref<2048xf32, #tpu.memory_space<vmem_shared>>) target_semaphore(%arg15 : memref<!tpu.dma_semaphore, #tpu.memory_space<semaphore_mem>>)
      %dma_wait3A_66 = arith.constant 2048 : i32
      %dma_wait3A_67 = tpu.memref_slice %arg2[%add3A, %dma_wait3A_66] : memref<26x16384xi32, #tpu.memory_space<hbm>> -> memref<1x2048xi32, #tpu.memory_space<hbm>>
      %dma_wait3A_68 = tpu.memref_squeeze %dma_wait3A_67 : memref<1x2048xi32, #tpu.memory_space<hbm>> -> memref<2048xi32, #tpu.memory_space<hbm>>
      %dma_wait3A_69 = arith.constant 2048 : i32
      %dma_wait3A_70 = tpu.memref_slice %arg2[%add3A, %dma_wait3A_69] : memref<26x16384xi32, #tpu.memory_space<hbm>> -> memref<1x2048xi32, #tpu.memory_space<hbm>>
      %dma_wait3A_71 = tpu.memref_squeeze %dma_wait3A_70 : memref<1x2048xi32, #tpu.memory_space<hbm>> -> memref<2048xi32, #tpu.memory_space<hbm>>
      tpu.wait_dma2 semaphore(%arg14 : memref<!tpu.dma_semaphore, #tpu.memory_space<semaphore_mem>>) src(%dma_wait3A_71 : memref<2048xi32, #tpu.memory_space<hbm>>) dst(%arg8 : memref<2048xi32, #tpu.memory_space<vmem>>)
      %dma_start3A_72 = arith.constant 4096 : i32
      %dma_start3A_73 = tpu.memref_slice %arg2[%add3A, %dma_start3A_72] : memref<26x16384xi32, #tpu.memory_space<hbm>> -> memref<1x2048xi32, #tpu.memory_space<hbm>>
      %dma_start3A_74 = tpu.memref_squeeze %dma_start3A_73 : memref<1x2048xi32, #tpu.memory_space<hbm>> -> memref<2048xi32, #tpu.memory_space<hbm>>
      %dma_start3A_75 = arith.constant 4096 : i32
      %dma_start3A_76 = tpu.memref_slice %arg2[%add3A, %dma_start3A_75] : memref<26x16384xi32, #tpu.memory_space<hbm>> -> memref<1x2048xi32, #tpu.memory_space<hbm>>
      %dma_start3A_77 = tpu.memref_squeeze %dma_start3A_76 : memref<1x2048xi32, #tpu.memory_space<hbm>> -> memref<2048xi32, #tpu.memory_space<hbm>>
      tpu.enqueue_dma source(%dma_start3A_77 : memref<2048xi32, #tpu.memory_space<hbm>>) target(%arg7 : memref<2048xi32, #tpu.memory_space<vmem>>) target_semaphore(%arg14 : memref<!tpu.dma_semaphore, #tpu.memory_space<semaphore_mem>>)
      %parallel_loop3A_78 = arith.constant 0 : i32
      %parallel_loop3A_79 = arith.constant 2048 : i32
      %parallel_loop3A_80 = arith.constant 16 : i32
      scf.for %parallel_loop3A_147 = %parallel_loop3A_78 to %parallel_loop3A_79 step %parallel_loop3A_80  : i32 {
        %parallel_loop3A_148 = arith.index_cast %parallel_loop3A_147 : i32 to index
        %parallel_loop3A_149 = tpu.vector_load %arg8[%parallel_loop3A_148] {strides = array<i32>} : memref<2048xi32, #tpu.memory_space<vmem>>, vector<16xi32>,
        %parallel_loop3A_150 = tpu.vector_load_idx %arg6[%parallel_loop3A_149] : memref<100000xf32, #tpu.memory_space<vmem>>[vector<16xi32>], vector<16xf32>,
        %parallel_loop3A_151 = arith.index_cast %parallel_loop3A_147 : i32 to index
        %parallel_loop3A_152 = tpu.vector_load %arg10[%parallel_loop3A_151] {strides = array<i32>} : memref<2048xf32, #tpu.memory_space<vmem>>, vector<16xf32>,
        tpu.vector_store %arg10[%parallel_loop3A_151], %parallel_loop3A_150 {strides = array<i32>} : memref<2048xf32, #tpu.memory_space<vmem>>, vector<16xf32>,
      } {sc.loop_unroll_factor = 8 : i64, sc.parallel_access}
      %dma_start3A_81 = arith.constant 2048 : i32
      %dma_start3A_82 = tpu.memref_slice %arg5[%add3A, %dma_start3A_81] : memref<32x8192xf32, #tpu.memory_space<vmem_shared>> -> memref<1x2048xf32, #tpu.memory_space<vmem_shared>>
      %dma_start3A_83 = tpu.memref_squeeze %dma_start3A_82 : memref<1x2048xf32, #tpu.memory_space<vmem_shared>> -> memref<2048xf32, #tpu.memory_space<vmem_shared>>
      %dma_start3A_84 = arith.constant 2048 : i32
      %dma_start3A_85 = tpu.memref_slice %arg5[%add3A, %dma_start3A_84] : memref<32x8192xf32, #tpu.memory_space<vmem_shared>> -> memref<1x2048xf32, #tpu.memory_space<vmem_shared>>
      %dma_start3A_86 = tpu.memref_squeeze %dma_start3A_85 : memref<1x2048xf32, #tpu.memory_space<vmem_shared>> -> memref<2048xf32, #tpu.memory_space<vmem_shared>>
      tpu.enqueue_dma source(%arg10 : memref<2048xf32, #tpu.memory_space<vmem>>) target(%dma_start3A_86 : memref<2048xf32, #tpu.memory_space<vmem_shared>>) target_semaphore(%arg15 : memref<!tpu.dma_semaphore, #tpu.memory_space<semaphore_mem>>)
      %dma_wait3A_87 = arith.constant 4096 : i32
      %dma_wait3A_88 = tpu.memref_slice %arg2[%add3A, %dma_wait3A_87] : memref<26x16384xi32, #tpu.memory_space<hbm>> -> memref<1x2048xi32, #tpu.memory_space<hbm>>
      %dma_wait3A_89 = tpu.memref_squeeze %dma_wait3A_88 : memref<1x2048xi32, #tpu.memory_space<hbm>> -> memref<2048xi32, #tpu.memory_space<hbm>>
      %dma_wait3A_90 = arith.constant 4096 : i32
      %dma_wait3A_91 = tpu.memref_slice %arg2[%add3A, %dma_wait3A_90] : memref<26x16384xi32, #tpu.memory_space<hbm>> -> memref<1x2048xi32, #tpu.memory_space<hbm>>
      %dma_wait3A_92 = tpu.memref_squeeze %dma_wait3A_91 : memref<1x2048xi32, #tpu.memory_space<hbm>> -> memref<2048xi32, #tpu.memory_space<hbm>>
      tpu.wait_dma2 semaphore(%arg14 : memref<!tpu.dma_semaphore, #tpu.memory_space<semaphore_mem>>) src(%dma_wait3A_92 : memref<2048xi32, #tpu.memory_space<hbm>>) dst(%arg7 : memref<2048xi32, #tpu.memory_space<vmem>>)
      %dma_wait3A_93 = arith.constant 0 : i32
      %dma_wait3A_94 = tpu.memref_slice %arg5[%add3A, %dma_wait3A_93] : memref<32x8192xf32, #tpu.memory_space<vmem_shared>> -> memref<1x2048xf32, #tpu.memory_space<vmem_shared>>
      %dma_wait3A_95 = tpu.memref_squeeze %dma_wait3A_94 : memref<1x2048xf32, #tpu.memory_space<vmem_shared>> -> memref<2048xf32, #tpu.memory_space<vmem_shared>>
      %dma_wait3A_96 = arith.constant 0 : i32
      %dma_wait3A_97 = tpu.memref_slice %arg5[%add3A, %dma_wait3A_96] : memref<32x8192xf32, #tpu.memory_space<vmem_shared>> -> memref<1x2048xf32, #tpu.memory_space<vmem_shared>>
      %dma_wait3A_98 = tpu.memref_squeeze %dma_wait3A_97 : memref<1x2048xf32, #tpu.memory_space<vmem_shared>> -> memref<2048xf32, #tpu.memory_space<vmem_shared>>
      tpu.wait_dma2 semaphore(%arg15 : memref<!tpu.dma_semaphore, #tpu.memory_space<semaphore_mem>>) src(%arg9 : memref<2048xf32, #tpu.memory_space<vmem>>) dst(%dma_wait3A_98 : memref<2048xf32, #tpu.memory_space<vmem_shared>>)
      %dma_start3A_99 = arith.constant 6144 : i32
      %dma_start3A_100 = tpu.memref_slice %arg2[%add3A, %dma_start3A_99] : memref<26x16384xi32, #tpu.memory_space<hbm>> -> memref<1x2048xi32, #tpu.memory_space<hbm>>
      %dma_start3A_101 = tpu.memref_squeeze %dma_start3A_100 : memref<1x2048xi32, #tpu.memory_space<hbm>> -> memref<2048xi32, #tpu.memory_space<hbm>>
      %dma_start3A_102 = arith.constant 6144 : i32
      %dma_start3A_103 = tpu.memref_slice %arg2[%add3A, %dma_start3A_102] : memref<26x16384xi32, #tpu.memory_space<hbm>> -> memref<1x2048xi32, #tpu.memory_space<hbm>>
      %dma_start3A_104 = tpu.memref_squeeze %dma_start3A_103 : memref<1x2048xi32, #tpu.memory_space<hbm>> -> memref<2048xi32, #tpu.memory_space<hbm>>
      tpu.enqueue_dma source(%dma_start3A_104 : memref<2048xi32, #tpu.memory_space<hbm>>) target(%arg8 : memref<2048xi32, #tpu.memory_space<vmem>>) target_semaphore(%arg14 : memref<!tpu.dma_semaphore, #tpu.memory_space<semaphore_mem>>)
      %parallel_loop3A_105 = arith.constant 0 : i32
      %parallel_loop3A_106 = arith.constant 2048 : i32
      %parallel_loop3A_107 = arith.constant 16 : i32
      scf.for %parallel_loop3A_147 = %parallel_loop3A_105 to %parallel_loop3A_106 step %parallel_loop3A_107  : i32 {
        %parallel_loop3A_148 = arith.index_cast %parallel_loop3A_147 : i32 to index
        %parallel_loop3A_149 = tpu.vector_load %arg7[%parallel_loop3A_148] {strides = array<i32>} : memref<2048xi32, #tpu.memory_space<vmem>>, vector<16xi32>,
        %parallel_loop3A_150 = tpu.vector_load_idx %arg6[%parallel_loop3A_149] : memref<100000xf32, #tpu.memory_space<vmem>>[vector<16xi32>], vector<16xf32>,
        %parallel_loop3A_151 = arith.index_cast %parallel_loop3A_147 : i32 to index
        %parallel_loop3A_152 = tpu.vector_load %arg9[%parallel_loop3A_151] {strides = array<i32>} : memref<2048xf32, #tpu.memory_space<vmem>>, vector<16xf32>,
        tpu.vector_store %arg9[%parallel_loop3A_151], %parallel_loop3A_150 {strides = array<i32>} : memref<2048xf32, #tpu.memory_space<vmem>>, vector<16xf32>,
      } {sc.loop_unroll_factor = 8 : i64, sc.parallel_access}
      %dma_start3A_108 = arith.constant 4096 : i32
      %dma_start3A_109 = tpu.memref_slice %arg5[%add3A, %dma_start3A_108] : memref<32x8192xf32, #tpu.memory_space<vmem_shared>> -> memref<1x2048xf32, #tpu.memory_space<vmem_shared>>
      %dma_start3A_110 = tpu.memref_squeeze %dma_start3A_109 : memref<1x2048xf32, #tpu.memory_space<vmem_shared>> -> memref<2048xf32, #tpu.memory_space<vmem_shared>>
      %dma_start3A_111 = arith.constant 4096 : i32
      %dma_start3A_112 = tpu.memref_slice %arg5[%add3A, %dma_start3A_111] : memref<32x8192xf32, #tpu.memory_space<vmem_shared>> -> memref<1x2048xf32, #tpu.memory_space<vmem_shared>>
      %dma_start3A_113 = tpu.memref_squeeze %dma_start3A_112 : memref<1x2048xf32, #tpu.memory_space<vmem_shared>> -> memref<2048xf32, #tpu.memory_space<vmem_shared>>
      tpu.enqueue_dma source(%arg9 : memref<2048xf32, #tpu.memory_space<vmem>>) target(%dma_start3A_113 : memref<2048xf32, #tpu.memory_space<vmem_shared>>) target_semaphore(%arg15 : memref<!tpu.dma_semaphore, #tpu.memory_space<semaphore_mem>>)
      %dma_wait3A_114 = arith.constant 6144 : i32
      %dma_wait3A_115 = tpu.memref_slice %arg2[%add3A, %dma_wait3A_114] : memref<26x16384xi32, #tpu.memory_space<hbm>> -> memref<1x2048xi32, #tpu.memory_space<hbm>>
      %dma_wait3A_116 = tpu.memref_squeeze %dma_wait3A_115 : memref<1x2048xi32, #tpu.memory_space<hbm>> -> memref<2048xi32, #tpu.memory_space<hbm>>
      %dma_wait3A_117 = arith.constant 6144 : i32
      %dma_wait3A_118 = tpu.memref_slice %arg2[%add3A, %dma_wait3A_117] : memref<26x16384xi32, #tpu.memory_space<hbm>> -> memref<1x2048xi32, #tpu.memory_space<hbm>>
      %dma_wait3A_119 = tpu.memref_squeeze %dma_wait3A_118 : memref<1x2048xi32, #tpu.memory_space<hbm>> -> memref<2048xi32, #tpu.memory_space<hbm>>
      tpu.wait_dma2 semaphore(%arg14 : memref<!tpu.dma_semaphore, #tpu.memory_space<semaphore_mem>>) src(%dma_wait3A_119 : memref<2048xi32, #tpu.memory_space<hbm>>) dst(%arg8 : memref<2048xi32, #tpu.memory_space<vmem>>)
      %dma_wait3A_120 = arith.constant 2048 : i32
      %dma_wait3A_121 = tpu.memref_slice %arg5[%add3A, %dma_wait3A_120] : memref<32x8192xf32, #tpu.memory_space<vmem_shared>> -> memref<1x2048xf32, #tpu.memory_space<vmem_shared>>
      %dma_wait3A_122 = tpu.memref_squeeze %dma_wait3A_121 : memref<1x2048xf32, #tpu.memory_space<vmem_shared>> -> memref<2048xf32, #tpu.memory_space<vmem_shared>>
      %dma_wait3A_123 = arith.constant 2048 : i32
      %dma_wait3A_124 = tpu.memref_slice %arg5[%add3A, %dma_wait3A_123] : memref<32x8192xf32, #tpu.memory_space<vmem_shared>> -> memref<1x2048xf32, #tpu.memory_space<vmem_shared>>
      %dma_wait3A_125 = tpu.memref_squeeze %dma_wait3A_124 : memref<1x2048xf32, #tpu.memory_space<vmem_shared>> -> memref<2048xf32, #tpu.memory_space<vmem_shared>>
      tpu.wait_dma2 semaphore(%arg15 : memref<!tpu.dma_semaphore, #tpu.memory_space<semaphore_mem>>) src(%arg10 : memref<2048xf32, #tpu.memory_space<vmem>>) dst(%dma_wait3A_125 : memref<2048xf32, #tpu.memory_space<vmem_shared>>)
      %parallel_loop3A_126 = arith.constant 0 : i32
      %parallel_loop3A_127 = arith.constant 2048 : i32
      %parallel_loop3A_128 = arith.constant 16 : i32
      scf.for %parallel_loop3A_147 = %parallel_loop3A_126 to %parallel_loop3A_127 step %parallel_loop3A_128  : i32 {
        %parallel_loop3A_148 = arith.index_cast %parallel_loop3A_147 : i32 to index
        %parallel_loop3A_149 = tpu.vector_load %arg8[%parallel_loop3A_148] {strides = array<i32>} : memref<2048xi32, #tpu.memory_space<vmem>>, vector<16xi32>,
        %parallel_loop3A_150 = tpu.vector_load_idx %arg6[%parallel_loop3A_149] : memref<100000xf32, #tpu.memory_space<vmem>>[vector<16xi32>], vector<16xf32>,
        %parallel_loop3A_151 = arith.index_cast %parallel_loop3A_147 : i32 to index
        %parallel_loop3A_152 = tpu.vector_load %arg10[%parallel_loop3A_151] {strides = array<i32>} : memref<2048xf32, #tpu.memory_space<vmem>>, vector<16xf32>,
        tpu.vector_store %arg10[%parallel_loop3A_151], %parallel_loop3A_150 {strides = array<i32>} : memref<2048xf32, #tpu.memory_space<vmem>>, vector<16xf32>,
      } {sc.loop_unroll_factor = 8 : i64, sc.parallel_access}
      %dma_start3A_129 = arith.constant 6144 : i32
      %dma_start3A_130 = tpu.memref_slice %arg5[%add3A, %dma_start3A_129] : memref<32x8192xf32, #tpu.memory_space<vmem_shared>> -> memref<1x2048xf32, #tpu.memory_space<vmem_shared>>
      %dma_start3A_131 = tpu.memref_squeeze %dma_start3A_130 : memref<1x2048xf32, #tpu.memory_space<vmem_shared>> -> memref<2048xf32, #tpu.memory_space<vmem_shared>>
      %dma_start3A_132 = arith.constant 6144 : i32
      %dma_start3A_133 = tpu.memref_slice %arg5[%add3A, %dma_start3A_132] : memref<32x8192xf32, #tpu.memory_space<vmem_shared>> -> memref<1x2048xf32, #tpu.memory_space<vmem_shared>>
      %dma_start3A_134 = tpu.memref_squeeze %dma_start3A_133 : memref<1x2048xf32, #tpu.memory_space<vmem_shared>> -> memref<2048xf32, #tpu.memory_space<vmem_shared>>
      tpu.enqueue_dma source(%arg10 : memref<2048xf32, #tpu.memory_space<vmem>>) target(%dma_start3A_134 : memref<2048xf32, #tpu.memory_space<vmem_shared>>) target_semaphore(%arg15 : memref<!tpu.dma_semaphore, #tpu.memory_space<semaphore_mem>>)
      %dma_wait3A_135 = arith.constant 4096 : i32
      %dma_wait3A_136 = tpu.memref_slice %arg5[%add3A, %dma_wait3A_135] : memref<32x8192xf32, #tpu.memory_space<vmem_shared>> -> memref<1x2048xf32, #tpu.memory_space<vmem_shared>>
      %dma_wait3A_137 = tpu.memref_squeeze %dma_wait3A_136 : memref<1x2048xf32, #tpu.memory_space<vmem_shared>> -> memref<2048xf32, #tpu.memory_space<vmem_shared>>
      %dma_wait3A_138 = arith.constant 4096 : i32
      %dma_wait3A_139 = tpu.memref_slice %arg5[%add3A, %dma_wait3A_138] : memref<32x8192xf32, #tpu.memory_space<vmem_shared>> -> memref<1x2048xf32, #tpu.memory_space<vmem_shared>>
      %dma_wait3A_140 = tpu.memref_squeeze %dma_wait3A_139 : memref<1x2048xf32, #tpu.memory_space<vmem_shared>> -> memref<2048xf32, #tpu.memory_space<vmem_shared>>
      tpu.wait_dma2 semaphore(%arg15 : memref<!tpu.dma_semaphore, #tpu.memory_space<semaphore_mem>>) src(%arg9 : memref<2048xf32, #tpu.memory_space<vmem>>) dst(%dma_wait3A_140 : memref<2048xf32, #tpu.memory_space<vmem_shared>>)
      %dma_wait3A_141 = arith.constant 6144 : i32
      %dma_wait3A_142 = tpu.memref_slice %arg5[%add3A, %dma_wait3A_141] : memref<32x8192xf32, #tpu.memory_space<vmem_shared>> -> memref<1x2048xf32, #tpu.memory_space<vmem_shared>>
      %dma_wait3A_143 = tpu.memref_squeeze %dma_wait3A_142 : memref<1x2048xf32, #tpu.memory_space<vmem_shared>> -> memref<2048xf32, #tpu.memory_space<vmem_shared>>
      %dma_wait3A_144 = arith.constant 6144 : i32
      %dma_wait3A_145 = tpu.memref_slice %arg5[%add3A, %dma_wait3A_144] : memref<32x8192xf32, #tpu.memory_space<vmem_shared>> -> memref<1x2048xf32, #tpu.memory_space<vmem_shared>>
      %dma_wait3A_146 = tpu.memref_squeeze %dma_wait3A_145 : memref<1x2048xf32, #tpu.memory_space<vmem_shared>> -> memref<2048xf32, #tpu.memory_space<vmem_shared>>
      tpu.wait_dma2 semaphore(%arg15 : memref<!tpu.dma_semaphore, #tpu.memory_space<semaphore_mem>>) src(%arg10 : memref<2048xf32, #tpu.memory_space<vmem>>) dst(%dma_wait3A_146 : memref<2048xf32, #tpu.memory_space<vmem_shared>>)
    } else {
    }
    %barrier3A = arith.constant 0 : index
    tpu.barrier barrier_id(%barrier3A)
    %scan3A = arith.constant 0 : i32
    %scan3A_8 = arith.constant 0 : i32
    %scan3A_9 = arith.constant 4 : i32
    %scan3A_10 = arith.addi %scan3A_8, %scan3A_9 : i32
    %scan3A_11 = arith.constant 1 : i32
    %scan3A_12 = scf.for %scan3A_36 = %scan3A_8 to %scan3A_10 step %scan3A_11 iter_args(%scan3A_37 = %scan3A) -> (i32)  : i32 {
      %mul3A_38 = arith.constant 512 : i32
      %mul3A_39 = arith.muli %arg1, %mul3A_38 : i32
      %mul3A_40 = arith.constant 128 : i32
      %mul3A_41 = arith.muli %scan3A_36, %mul3A_40 : i32
      %add3A_42 = arith.addi %mul3A_39, %mul3A_41 : i32
      "tpu.region"() ({
        %run_scoped3A = tpu.sem_alloc : memref<!tpu.dma_semaphore, #tpu.memory_space<semaphore_mem>>
        %dma_start3A = arith.constant 0 : i32
        %dma_start3A_51 = tpu.memref_slice %arg5[%dma_start3A, %add3A_42] : memref<32x8192xf32, #tpu.memory_space<vmem_shared>> -> memref<32x128xf32, #tpu.memory_space<vmem_shared>>
        %dma_start3A_52 = arith.constant 0 : i32
        %dma_start3A_53 = tpu.memref_slice %arg5[%dma_start3A_52, %add3A_42] : memref<32x8192xf32, #tpu.memory_space<vmem_shared>> -> memref<32x128xf32, #tpu.memory_space<vmem_shared>>
        tpu.enqueue_dma source(%dma_start3A_53 : memref<32x128xf32, #tpu.memory_space<vmem_shared>>) target(%arg11 : memref<32x128xf32, #tpu.memory_space<vmem>>) target_semaphore(%run_scoped3A : memref<!tpu.dma_semaphore, #tpu.memory_space<semaphore_mem>>)
        %dma_wait3A = arith.constant 0 : i32
        %dma_wait3A_54 = tpu.memref_slice %arg5[%dma_wait3A, %add3A_42] : memref<32x8192xf32, #tpu.memory_space<vmem_shared>> -> memref<32x128xf32, #tpu.memory_space<vmem_shared>>
        %dma_wait3A_55 = arith.constant 0 : i32
        %dma_wait3A_56 = tpu.memref_slice %arg5[%dma_wait3A_55, %add3A_42] : memref<32x8192xf32, #tpu.memory_space<vmem_shared>> -> memref<32x128xf32, #tpu.memory_space<vmem_shared>>
        tpu.wait_dma2 semaphore(%run_scoped3A : memref<!tpu.dma_semaphore, #tpu.memory_space<semaphore_mem>>) src(%dma_wait3A_56 : memref<32x128xf32, #tpu.memory_space<vmem_shared>>) dst(%arg11 : memref<32x128xf32, #tpu.memory_space<vmem>>)
        tpu.yield
      }) : () -> ()
      %scan3A_43 = arith.constant 0 : i32
      %scan3A_44 = arith.constant 0 : i32
      %scan3A_45 = arith.constant 8 : i32
      %scan3A_46 = arith.addi %scan3A_44, %scan3A_45 : i32
      %scan3A_47 = arith.constant 1 : i32
      %scan3A_48 = scf.for %scan3A_51 = %scan3A_44 to %scan3A_46 step %scan3A_47 iter_args(%scan3A_52 = %scan3A_43) -> (i32)  : i32 {
        %mul3A_53 = arith.constant 16 : i32
        %mul3A_54 = arith.muli %scan3A_51, %mul3A_53 : i32
        %get3A = arith.index_cast %arg0 : i32 to index
        %get3A_55 = arith.index_cast %mul3A_54 : i32 to index
        %get3A_56 = tpu.vector_load %arg11[%get3A, %get3A_55] {strides = array<i32>} : memref<32x128xf32, #tpu.memory_space<vmem>>, vector<16xf32>,
        %add3A_57 = arith.constant 2 : i32
        %add3A_58 = arith.addi %add3A_57, %arg0 : i32
        %mul3A_59 = arith.constant 16 : i32
        %mul3A_60 = arith.muli %scan3A_51, %mul3A_59 : i32
        %get3A_61 = arith.index_cast %add3A_58 : i32 to index
        %get3A_62 = arith.index_cast %mul3A_60 : i32 to index
        %get3A_63 = tpu.vector_load %arg11[%get3A_61, %get3A_62] {strides = array<i32>} : memref<32x128xf32, #tpu.memory_space<vmem>>, vector<16xf32>,
        %add3A_64 = arith.addf %get3A_56, %get3A_63 : vector<16xf32>
        %add3A_65 = arith.constant 4 : i32
        %add3A_66 = arith.addi %add3A_65, %arg0 : i32
        %mul3A_67 = arith.constant 16 : i32
        %mul3A_68 = arith.muli %scan3A_51, %mul3A_67 : i32
        %get3A_69 = arith.index_cast %add3A_66 : i32 to index
        %get3A_70 = arith.index_cast %mul3A_68 : i32 to index
        %get3A_71 = tpu.vector_load %arg11[%get3A_69, %get3A_70] {strides = array<i32>} : memref<32x128xf32, #tpu.memory_space<vmem>>, vector<16xf32>,
        %add3A_72 = arith.addf %add3A_64, %get3A_71 : vector<16xf32>
        %add3A_73 = arith.constant 6 : i32
        %add3A_74 = arith.addi %add3A_73, %arg0 : i32
        %mul3A_75 = arith.constant 16 : i32
        %mul3A_76 = arith.muli %scan3A_51, %mul3A_75 : i32
        %get3A_77 = arith.index_cast %add3A_74 : i32 to index
        %get3A_78 = arith.index_cast %mul3A_76 : i32 to index
        %get3A_79 = tpu.vector_load %arg11[%get3A_77, %get3A_78] {strides = array<i32>} : memref<32x128xf32, #tpu.memory_space<vmem>>, vector<16xf32>,
        %add3A_80 = arith.addf %add3A_72, %get3A_79 : vector<16xf32>
        %add3A_81 = arith.constant 8 : i32
        %add3A_82 = arith.addi %add3A_81, %arg0 : i32
        %mul3A_83 = arith.constant 16 : i32
        %mul3A_84 = arith.muli %scan3A_51, %mul3A_83 : i32
        %get3A_85 = arith.index_cast %add3A_82 : i32 to index
        %get3A_86 = arith.index_cast %mul3A_84 : i32 to index
        %get3A_87 = tpu.vector_load %arg11[%get3A_85, %get3A_86] {strides = array<i32>} : memref<32x128xf32, #tpu.memory_space<vmem>>, vector<16xf32>,
        %add3A_88 = arith.addf %add3A_80, %get3A_87 : vector<16xf32>
        %add3A_89 = arith.constant 10 : i32
        %add3A_90 = arith.addi %add3A_89, %arg0 : i32
        %mul3A_91 = arith.constant 16 : i32
        %mul3A_92 = arith.muli %scan3A_51, %mul3A_91 : i32
        %get3A_93 = arith.index_cast %add3A_90 : i32 to index
        %get3A_94 = arith.index_cast %mul3A_92 : i32 to index
        %get3A_95 = tpu.vector_load %arg11[%get3A_93, %get3A_94] {strides = array<i32>} : memref<32x128xf32, #tpu.memory_space<vmem>>, vector<16xf32>,
        %add3A_96 = arith.addf %add3A_88, %get3A_95 : vector<16xf32>
        %add3A_97 = arith.constant 12 : i32
        %add3A_98 = arith.addi %add3A_97, %arg0 : i32
        %mul3A_99 = arith.constant 16 : i32
        %mul3A_100 = arith.muli %scan3A_51, %mul3A_99 : i32
        %get3A_101 = arith.index_cast %add3A_98 : i32 to index
        %get3A_102 = arith.index_cast %mul3A_100 : i32 to index
        %get3A_103 = tpu.vector_load %arg11[%get3A_101, %get3A_102] {strides = array<i32>} : memref<32x128xf32, #tpu.memory_space<vmem>>, vector<16xf32>,
        %add3A_104 = arith.addf %add3A_96, %get3A_103 : vector<16xf32>
        %add3A_105 = arith.constant 14 : i32
        %add3A_106 = arith.addi %add3A_105, %arg0 : i32
        %mul3A_107 = arith.constant 16 : i32
        %mul3A_108 = arith.muli %scan3A_51, %mul3A_107 : i32
        %get3A_109 = arith.index_cast %add3A_106 : i32 to index
        %get3A_110 = arith.index_cast %mul3A_108 : i32 to index
        %get3A_111 = tpu.vector_load %arg11[%get3A_109, %get3A_110] {strides = array<i32>} : memref<32x128xf32, #tpu.memory_space<vmem>>, vector<16xf32>,
        %add3A_112 = arith.addf %add3A_104, %get3A_111 : vector<16xf32>
        %add3A_113 = arith.constant 16 : i32
        %add3A_114 = arith.addi %add3A_113, %arg0 : i32
        %mul3A_115 = arith.constant 16 : i32
        %mul3A_116 = arith.muli %scan3A_51, %mul3A_115 : i32
        %get3A_117 = arith.index_cast %add3A_114 : i32 to index
        %get3A_118 = arith.index_cast %mul3A_116 : i32 to index
        %get3A_119 = tpu.vector_load %arg11[%get3A_117, %get3A_118] {strides = array<i32>} : memref<32x128xf32, #tpu.memory_space<vmem>>, vector<16xf32>,
        %add3A_120 = arith.addf %add3A_112, %get3A_119 : vector<16xf32>
        %add3A_121 = arith.constant 18 : i32
        %add3A_122 = arith.addi %add3A_121, %arg0 : i32
        %mul3A_123 = arith.constant 16 : i32
        %mul3A_124 = arith.muli %scan3A_51, %mul3A_123 : i32
        %get3A_125 = arith.index_cast %add3A_122 : i32 to index
        %get3A_126 = arith.index_cast %mul3A_124 : i32 to index
        %get3A_127 = tpu.vector_load %arg11[%get3A_125, %get3A_126] {strides = array<i32>} : memref<32x128xf32, #tpu.memory_space<vmem>>, vector<16xf32>,
        %add3A_128 = arith.addf %add3A_120, %get3A_127 : vector<16xf32>
        %add3A_129 = arith.constant 20 : i32
        %add3A_130 = arith.addi %add3A_129, %arg0 : i32
        %mul3A_131 = arith.constant 16 : i32
        %mul3A_132 = arith.muli %scan3A_51, %mul3A_131 : i32
        %get3A_133 = arith.index_cast %add3A_130 : i32 to index
        %get3A_134 = arith.index_cast %mul3A_132 : i32 to index
        %get3A_135 = tpu.vector_load %arg11[%get3A_133, %get3A_134] {strides = array<i32>} : memref<32x128xf32, #tpu.memory_space<vmem>>, vector<16xf32>,
        %add3A_136 = arith.addf %add3A_128, %get3A_135 : vector<16xf32>
        %add3A_137 = arith.constant 22 : i32
        %add3A_138 = arith.addi %add3A_137, %arg0 : i32
        %mul3A_139 = arith.constant 16 : i32
        %mul3A_140 = arith.muli %scan3A_51, %mul3A_139 : i32
        %get3A_141 = arith.index_cast %add3A_138 : i32 to index
        %get3A_142 = arith.index_cast %mul3A_140 : i32 to index
        %get3A_143 = tpu.vector_load %arg11[%get3A_141, %get3A_142] {strides = array<i32>} : memref<32x128xf32, #tpu.memory_space<vmem>>, vector<16xf32>,
        %add3A_144 = arith.addf %add3A_136, %get3A_143 : vector<16xf32>
        %add3A_145 = arith.constant 24 : i32
        %add3A_146 = arith.addi %add3A_145, %arg0 : i32
        %mul3A_147 = arith.constant 16 : i32
        %mul3A_148 = arith.muli %scan3A_51, %mul3A_147 : i32
        %get3A_149 = arith.index_cast %add3A_146 : i32 to index
        %get3A_150 = arith.index_cast %mul3A_148 : i32 to index
        %get3A_151 = tpu.vector_load %arg11[%get3A_149, %get3A_150] {strides = array<i32>} : memref<32x128xf32, #tpu.memory_space<vmem>>, vector<16xf32>,
        %add3A_152 = arith.addf %add3A_144, %get3A_151 : vector<16xf32>
        %mul3A_153 = arith.constant 128 : i32
        %mul3A_154 = arith.muli %scan3A_36, %mul3A_153 : i32
        %mul3A_155 = arith.constant 16 : i32
        %mul3A_156 = arith.muli %scan3A_51, %mul3A_155 : i32
        %add3A_157 = arith.addi %mul3A_154, %mul3A_156 : i32
        %swap3A = arith.index_cast %add3A_157 : i32 to index
        %swap3A_158 = tpu.vector_load %arg12[%swap3A] {strides = array<i32>} : memref<512xf32, #tpu.memory_space<vmem>>, vector<16xf32>,
        tpu.vector_store %arg12[%swap3A], %add3A_152 {strides = array<i32>} : memref<512xf32, #tpu.memory_space<vmem>>, vector<16xf32>,
        %scan3A_159 = arith.constant 0 : i32
        scf.yield %scan3A_159 : i32
      }
      %scan3A_49 = arith.constant 8 : i32
      %scan3A_50 = arith.constant 0 : i32
      scf.yield %scan3A_50 : i32
    }
    %scan3A_13 = arith.constant 4 : i32
    %mul3A_14 = arith.constant 512 : i32
    %mul3A_15 = arith.muli %arg1, %mul3A_14 : i32
    %add3A_16 = arith.constant 0 : i32
    %add3A_17 = arith.addi %add3A_16, %mul3A_15 : i32
    "tpu.region"() ({
      %run_scoped3A = tpu.sem_alloc : memref<!tpu.dma_semaphore, #tpu.memory_space<semaphore_mem>>
      %dma_start3A = tpu.memref_slice %arg4[%arg0, %add3A_17] : memref<2x16384xf32, #tpu.memory_space<hbm>> -> memref<1x512xf32, #tpu.memory_space<hbm>>
      %dma_start3A_36 = tpu.memref_squeeze %dma_start3A : memref<1x512xf32, #tpu.memory_space<hbm>> -> memref<512xf32, #tpu.memory_space<hbm>>
      %dma_start3A_37 = tpu.memref_slice %arg4[%arg0, %add3A_17] : memref<2x16384xf32, #tpu.memory_space<hbm>> -> memref<1x512xf32, #tpu.memory_space<hbm>>
      %dma_start3A_38 = tpu.memref_squeeze %dma_start3A_37 : memref<1x512xf32, #tpu.memory_space<hbm>> -> memref<512xf32, #tpu.memory_space<hbm>>
      tpu.enqueue_dma source(%arg12 : memref<512xf32, #tpu.memory_space<vmem>>) target(%dma_start3A_38 : memref<512xf32, #tpu.memory_space<hbm>>) target_semaphore(%run_scoped3A : memref<!tpu.dma_semaphore, #tpu.memory_space<semaphore_mem>>)
      %dma_wait3A = tpu.memref_slice %arg4[%arg0, %add3A_17] : memref<2x16384xf32, #tpu.memory_space<hbm>> -> memref<1x512xf32, #tpu.memory_space<hbm>>
      %dma_wait3A_39 = tpu.memref_squeeze %dma_wait3A : memref<1x512xf32, #tpu.memory_space<hbm>> -> memref<512xf32, #tpu.memory_space<hbm>>
      %dma_wait3A_40 = tpu.memref_slice %arg4[%arg0, %add3A_17] : memref<2x16384xf32, #tpu.memory_space<hbm>> -> memref<1x512xf32, #tpu.memory_space<hbm>>
      %dma_wait3A_41 = tpu.memref_squeeze %dma_wait3A_40 : memref<1x512xf32, #tpu.memory_space<hbm>> -> memref<512xf32, #tpu.memory_space<hbm>>
      tpu.wait_dma2 semaphore(%run_scoped3A : memref<!tpu.dma_semaphore, #tpu.memory_space<semaphore_mem>>) src(%arg12 : memref<512xf32, #tpu.memory_space<vmem>>) dst(%dma_wait3A_41 : memref<512xf32, #tpu.memory_space<hbm>>)
      tpu.yield
    }) : () -> ()
    %barrier3A_18 = arith.constant 0 : index
    tpu.barrier barrier_id(%barrier3A_18)
    %lt3A_19 = arith.constant 26 : i32
    %lt3A_20 = arith.cmpi slt, %add3A, %lt3A_19 : i32
    %convert_element_type3A_21 = arith.extui %lt3A_20 : i1 to i32
    %cond3A_22 = arith.constant 0 : i32
    %cond3A_23 = arith.cmpi ne, %convert_element_type3A_21, %cond3A_22 : i32
    scf.if %cond3A_23 {
      %dma_start3A = arith.constant 8192 : i32
      %dma_start3A_36 = tpu.memref_slice %arg2[%add3A, %dma_start3A] : memref<26x16384xi32, #tpu.memory_space<hbm>> -> memref<1x2048xi32, #tpu.memory_space<hbm>>
      %dma_start3A_37 = tpu.memref_squeeze %dma_start3A_36 : memref<1x2048xi32, #tpu.memory_space<hbm>> -> memref<2048xi32, #tpu.memory_space<hbm>>
      %dma_start3A_38 = arith.constant 8192 : i32
      %dma_start3A_39 = tpu.memref_slice %arg2[%add3A, %dma_start3A_38] : memref<26x16384xi32, #tpu.memory_space<hbm>> -> memref<1x2048xi32, #tpu.memory_space<hbm>>
      %dma_start3A_40 = tpu.memref_squeeze %dma_start3A_39 : memref<1x2048xi32, #tpu.memory_space<hbm>> -> memref<2048xi32, #tpu.memory_space<hbm>>
      tpu.enqueue_dma source(%dma_start3A_40 : memref<2048xi32, #tpu.memory_space<hbm>>) target(%arg7 : memref<2048xi32, #tpu.memory_space<vmem>>) target_semaphore(%arg14 : memref<!tpu.dma_semaphore, #tpu.memory_space<semaphore_mem>>)
      %dma_wait3A = arith.constant 8192 : i32
      %dma_wait3A_41 = tpu.memref_slice %arg2[%add3A, %dma_wait3A] : memref<26x16384xi32, #tpu.memory_space<hbm>> -> memref<1x2048xi32, #tpu.memory_space<hbm>>
      %dma_wait3A_42 = tpu.memref_squeeze %dma_wait3A_41 : memref<1x2048xi32, #tpu.memory_space<hbm>> -> memref<2048xi32, #tpu.memory_space<hbm>>
      %dma_wait3A_43 = arith.constant 8192 : i32
      %dma_wait3A_44 = tpu.memref_slice %arg2[%add3A, %dma_wait3A_43] : memref<26x16384xi32, #tpu.memory_space<hbm>> -> memref<1x2048xi32, #tpu.memory_space<hbm>>
      %dma_wait3A_45 = tpu.memref_squeeze %dma_wait3A_44 : memref<1x2048xi32, #tpu.memory_space<hbm>> -> memref<2048xi32, #tpu.memory_space<hbm>>
      tpu.wait_dma2 semaphore(%arg14 : memref<!tpu.dma_semaphore, #tpu.memory_space<semaphore_mem>>) src(%dma_wait3A_45 : memref<2048xi32, #tpu.memory_space<hbm>>) dst(%arg7 : memref<2048xi32, #tpu.memory_space<vmem>>)
      %dma_start3A_46 = arith.constant 10240 : i32
      %dma_start3A_47 = tpu.memref_slice %arg2[%add3A, %dma_start3A_46] : memref<26x16384xi32, #tpu.memory_space<hbm>> -> memref<1x2048xi32, #tpu.memory_space<hbm>>
      %dma_start3A_48 = tpu.memref_squeeze %dma_start3A_47 : memref<1x2048xi32, #tpu.memory_space<hbm>> -> memref<2048xi32, #tpu.memory_space<hbm>>
      %dma_start3A_49 = arith.constant 10240 : i32
      %dma_start3A_50 = tpu.memref_slice %arg2[%add3A, %dma_start3A_49] : memref<26x16384xi32, #tpu.memory_space<hbm>> -> memref<1x2048xi32, #tpu.memory_space<hbm>>
      %dma_start3A_51 = tpu.memref_squeeze %dma_start3A_50 : memref<1x2048xi32, #tpu.memory_space<hbm>> -> memref<2048xi32, #tpu.memory_space<hbm>>
      tpu.enqueue_dma source(%dma_start3A_51 : memref<2048xi32, #tpu.memory_space<hbm>>) target(%arg8 : memref<2048xi32, #tpu.memory_space<vmem>>) target_semaphore(%arg14 : memref<!tpu.dma_semaphore, #tpu.memory_space<semaphore_mem>>)
      %parallel_loop3A = arith.constant 0 : i32
      %parallel_loop3A_52 = arith.constant 2048 : i32
      %parallel_loop3A_53 = arith.constant 16 : i32
      scf.for %parallel_loop3A_141 = %parallel_loop3A to %parallel_loop3A_52 step %parallel_loop3A_53  : i32 {
        %parallel_loop3A_142 = arith.index_cast %parallel_loop3A_141 : i32 to index
        %parallel_loop3A_143 = tpu.vector_load %arg7[%parallel_loop3A_142] {strides = array<i32>} : memref<2048xi32, #tpu.memory_space<vmem>>, vector<16xi32>,
        %parallel_loop3A_144 = tpu.vector_load_idx %arg6[%parallel_loop3A_143] : memref<100000xf32, #tpu.memory_space<vmem>>[vector<16xi32>], vector<16xf32>,
        %parallel_loop3A_145 = arith.index_cast %parallel_loop3A_141 : i32 to index
        %parallel_loop3A_146 = tpu.vector_load %arg9[%parallel_loop3A_145] {strides = array<i32>} : memref<2048xf32, #tpu.memory_space<vmem>>, vector<16xf32>,
        tpu.vector_store %arg9[%parallel_loop3A_145], %parallel_loop3A_144 {strides = array<i32>} : memref<2048xf32, #tpu.memory_space<vmem>>, vector<16xf32>,
      } {sc.loop_unroll_factor = 8 : i64, sc.parallel_access}
      %dma_start3A_54 = arith.constant 0 : i32
      %dma_start3A_55 = tpu.memref_slice %arg5[%add3A, %dma_start3A_54] : memref<32x8192xf32, #tpu.memory_space<vmem_shared>> -> memref<1x2048xf32, #tpu.memory_space<vmem_shared>>
      %dma_start3A_56 = tpu.memref_squeeze %dma_start3A_55 : memref<1x2048xf32, #tpu.memory_space<vmem_shared>> -> memref<2048xf32, #tpu.memory_space<vmem_shared>>
      %dma_start3A_57 = arith.constant 0 : i32
      %dma_start3A_58 = tpu.memref_slice %arg5[%add3A, %dma_start3A_57] : memref<32x8192xf32, #tpu.memory_space<vmem_shared>> -> memref<1x2048xf32, #tpu.memory_space<vmem_shared>>
      %dma_start3A_59 = tpu.memref_squeeze %dma_start3A_58 : memref<1x2048xf32, #tpu.memory_space<vmem_shared>> -> memref<2048xf32, #tpu.memory_space<vmem_shared>>
      tpu.enqueue_dma source(%arg9 : memref<2048xf32, #tpu.memory_space<vmem>>) target(%dma_start3A_59 : memref<2048xf32, #tpu.memory_space<vmem_shared>>) target_semaphore(%arg15 : memref<!tpu.dma_semaphore, #tpu.memory_space<semaphore_mem>>)
      %dma_wait3A_60 = arith.constant 10240 : i32
      %dma_wait3A_61 = tpu.memref_slice %arg2[%add3A, %dma_wait3A_60] : memref<26x16384xi32, #tpu.memory_space<hbm>> -> memref<1x2048xi32, #tpu.memory_space<hbm>>
      %dma_wait3A_62 = tpu.memref_squeeze %dma_wait3A_61 : memref<1x2048xi32, #tpu.memory_space<hbm>> -> memref<2048xi32, #tpu.memory_space<hbm>>
      %dma_wait3A_63 = arith.constant 10240 : i32
      %dma_wait3A_64 = tpu.memref_slice %arg2[%add3A, %dma_wait3A_63] : memref<26x16384xi32, #tpu.memory_space<hbm>> -> memref<1x2048xi32, #tpu.memory_space<hbm>>
      %dma_wait3A_65 = tpu.memref_squeeze %dma_wait3A_64 : memref<1x2048xi32, #tpu.memory_space<hbm>> -> memref<2048xi32, #tpu.memory_space<hbm>>
      tpu.wait_dma2 semaphore(%arg14 : memref<!tpu.dma_semaphore, #tpu.memory_space<semaphore_mem>>) src(%dma_wait3A_65 : memref<2048xi32, #tpu.memory_space<hbm>>) dst(%arg8 : memref<2048xi32, #tpu.memory_space<vmem>>)
      %dma_start3A_66 = arith.constant 12288 : i32
      %dma_start3A_67 = tpu.memref_slice %arg2[%add3A, %dma_start3A_66] : memref<26x16384xi32, #tpu.memory_space<hbm>> -> memref<1x2048xi32, #tpu.memory_space<hbm>>
      %dma_start3A_68 = tpu.memref_squeeze %dma_start3A_67 : memref<1x2048xi32, #tpu.memory_space<hbm>> -> memref<2048xi32, #tpu.memory_space<hbm>>
      %dma_start3A_69 = arith.constant 12288 : i32
      %dma_start3A_70 = tpu.memref_slice %arg2[%add3A, %dma_start3A_69] : memref<26x16384xi32, #tpu.memory_space<hbm>> -> memref<1x2048xi32, #tpu.memory_space<hbm>>
      %dma_start3A_71 = tpu.memref_squeeze %dma_start3A_70 : memref<1x2048xi32, #tpu.memory_space<hbm>> -> memref<2048xi32, #tpu.memory_space<hbm>>
      tpu.enqueue_dma source(%dma_start3A_71 : memref<2048xi32, #tpu.memory_space<hbm>>) target(%arg7 : memref<2048xi32, #tpu.memory_space<vmem>>) target_semaphore(%arg14 : memref<!tpu.dma_semaphore, #tpu.memory_space<semaphore_mem>>)
      %parallel_loop3A_72 = arith.constant 0 : i32
      %parallel_loop3A_73 = arith.constant 2048 : i32
      %parallel_loop3A_74 = arith.constant 16 : i32
      scf.for %parallel_loop3A_141 = %parallel_loop3A_72 to %parallel_loop3A_73 step %parallel_loop3A_74  : i32 {
        %parallel_loop3A_142 = arith.index_cast %parallel_loop3A_141 : i32 to index
        %parallel_loop3A_143 = tpu.vector_load %arg8[%parallel_loop3A_142] {strides = array<i32>} : memref<2048xi32, #tpu.memory_space<vmem>>, vector<16xi32>,
        %parallel_loop3A_144 = tpu.vector_load_idx %arg6[%parallel_loop3A_143] : memref<100000xf32, #tpu.memory_space<vmem>>[vector<16xi32>], vector<16xf32>,
        %parallel_loop3A_145 = arith.index_cast %parallel_loop3A_141 : i32 to index
        %parallel_loop3A_146 = tpu.vector_load %arg10[%parallel_loop3A_145] {strides = array<i32>} : memref<2048xf32, #tpu.memory_space<vmem>>, vector<16xf32>,
        tpu.vector_store %arg10[%parallel_loop3A_145], %parallel_loop3A_144 {strides = array<i32>} : memref<2048xf32, #tpu.memory_space<vmem>>, vector<16xf32>,
      } {sc.loop_unroll_factor = 8 : i64, sc.parallel_access}
      %dma_start3A_75 = arith.constant 2048 : i32
      %dma_start3A_76 = tpu.memref_slice %arg5[%add3A, %dma_start3A_75] : memref<32x8192xf32, #tpu.memory_space<vmem_shared>> -> memref<1x2048xf32, #tpu.memory_space<vmem_shared>>
      %dma_start3A_77 = tpu.memref_squeeze %dma_start3A_76 : memref<1x2048xf32, #tpu.memory_space<vmem_shared>> -> memref<2048xf32, #tpu.memory_space<vmem_shared>>
      %dma_start3A_78 = arith.constant 2048 : i32
      %dma_start3A_79 = tpu.memref_slice %arg5[%add3A, %dma_start3A_78] : memref<32x8192xf32, #tpu.memory_space<vmem_shared>> -> memref<1x2048xf32, #tpu.memory_space<vmem_shared>>
      %dma_start3A_80 = tpu.memref_squeeze %dma_start3A_79 : memref<1x2048xf32, #tpu.memory_space<vmem_shared>> -> memref<2048xf32, #tpu.memory_space<vmem_shared>>
      tpu.enqueue_dma source(%arg10 : memref<2048xf32, #tpu.memory_space<vmem>>) target(%dma_start3A_80 : memref<2048xf32, #tpu.memory_space<vmem_shared>>) target_semaphore(%arg15 : memref<!tpu.dma_semaphore, #tpu.memory_space<semaphore_mem>>)
      %dma_wait3A_81 = arith.constant 12288 : i32
      %dma_wait3A_82 = tpu.memref_slice %arg2[%add3A, %dma_wait3A_81] : memref<26x16384xi32, #tpu.memory_space<hbm>> -> memref<1x2048xi32, #tpu.memory_space<hbm>>
      %dma_wait3A_83 = tpu.memref_squeeze %dma_wait3A_82 : memref<1x2048xi32, #tpu.memory_space<hbm>> -> memref<2048xi32, #tpu.memory_space<hbm>>
      %dma_wait3A_84 = arith.constant 12288 : i32
      %dma_wait3A_85 = tpu.memref_slice %arg2[%add3A, %dma_wait3A_84] : memref<26x16384xi32, #tpu.memory_space<hbm>> -> memref<1x2048xi32, #tpu.memory_space<hbm>>
      %dma_wait3A_86 = tpu.memref_squeeze %dma_wait3A_85 : memref<1x2048xi32, #tpu.memory_space<hbm>> -> memref<2048xi32, #tpu.memory_space<hbm>>
      tpu.wait_dma2 semaphore(%arg14 : memref<!tpu.dma_semaphore, #tpu.memory_space<semaphore_mem>>) src(%dma_wait3A_86 : memref<2048xi32, #tpu.memory_space<hbm>>) dst(%arg7 : memref<2048xi32, #tpu.memory_space<vmem>>)
      %dma_wait3A_87 = arith.constant 0 : i32
      %dma_wait3A_88 = tpu.memref_slice %arg5[%add3A, %dma_wait3A_87] : memref<32x8192xf32, #tpu.memory_space<vmem_shared>> -> memref<1x2048xf32, #tpu.memory_space<vmem_shared>>
      %dma_wait3A_89 = tpu.memref_squeeze %dma_wait3A_88 : memref<1x2048xf32, #tpu.memory_space<vmem_shared>> -> memref<2048xf32, #tpu.memory_space<vmem_shared>>
      %dma_wait3A_90 = arith.constant 0 : i32
      %dma_wait3A_91 = tpu.memref_slice %arg5[%add3A, %dma_wait3A_90] : memref<32x8192xf32, #tpu.memory_space<vmem_shared>> -> memref<1x2048xf32, #tpu.memory_space<vmem_shared>>
      %dma_wait3A_92 = tpu.memref_squeeze %dma_wait3A_91 : memref<1x2048xf32, #tpu.memory_space<vmem_shared>> -> memref<2048xf32, #tpu.memory_space<vmem_shared>>
      tpu.wait_dma2 semaphore(%arg15 : memref<!tpu.dma_semaphore, #tpu.memory_space<semaphore_mem>>) src(%arg9 : memref<2048xf32, #tpu.memory_space<vmem>>) dst(%dma_wait3A_92 : memref<2048xf32, #tpu.memory_space<vmem_shared>>)
      %dma_start3A_93 = arith.constant 14336 : i32
      %dma_start3A_94 = tpu.memref_slice %arg2[%add3A, %dma_start3A_93] : memref<26x16384xi32, #tpu.memory_space<hbm>> -> memref<1x2048xi32, #tpu.memory_space<hbm>>
      %dma_start3A_95 = tpu.memref_squeeze %dma_start3A_94 : memref<1x2048xi32, #tpu.memory_space<hbm>> -> memref<2048xi32, #tpu.memory_space<hbm>>
      %dma_start3A_96 = arith.constant 14336 : i32
      %dma_start3A_97 = tpu.memref_slice %arg2[%add3A, %dma_start3A_96] : memref<26x16384xi32, #tpu.memory_space<hbm>> -> memref<1x2048xi32, #tpu.memory_space<hbm>>
      %dma_start3A_98 = tpu.memref_squeeze %dma_start3A_97 : memref<1x2048xi32, #tpu.memory_space<hbm>> -> memref<2048xi32, #tpu.memory_space<hbm>>
      tpu.enqueue_dma source(%dma_start3A_98 : memref<2048xi32, #tpu.memory_space<hbm>>) target(%arg8 : memref<2048xi32, #tpu.memory_space<vmem>>) target_semaphore(%arg14 : memref<!tpu.dma_semaphore, #tpu.memory_space<semaphore_mem>>)
      %parallel_loop3A_99 = arith.constant 0 : i32
      %parallel_loop3A_100 = arith.constant 2048 : i32
      %parallel_loop3A_101 = arith.constant 16 : i32
      scf.for %parallel_loop3A_141 = %parallel_loop3A_99 to %parallel_loop3A_100 step %parallel_loop3A_101  : i32 {
        %parallel_loop3A_142 = arith.index_cast %parallel_loop3A_141 : i32 to index
        %parallel_loop3A_143 = tpu.vector_load %arg7[%parallel_loop3A_142] {strides = array<i32>} : memref<2048xi32, #tpu.memory_space<vmem>>, vector<16xi32>,
        %parallel_loop3A_144 = tpu.vector_load_idx %arg6[%parallel_loop3A_143] : memref<100000xf32, #tpu.memory_space<vmem>>[vector<16xi32>], vector<16xf32>,
        %parallel_loop3A_145 = arith.index_cast %parallel_loop3A_141 : i32 to index
        %parallel_loop3A_146 = tpu.vector_load %arg9[%parallel_loop3A_145] {strides = array<i32>} : memref<2048xf32, #tpu.memory_space<vmem>>, vector<16xf32>,
        tpu.vector_store %arg9[%parallel_loop3A_145], %parallel_loop3A_144 {strides = array<i32>} : memref<2048xf32, #tpu.memory_space<vmem>>, vector<16xf32>,
      } {sc.loop_unroll_factor = 8 : i64, sc.parallel_access}
      %dma_start3A_102 = arith.constant 4096 : i32
      %dma_start3A_103 = tpu.memref_slice %arg5[%add3A, %dma_start3A_102] : memref<32x8192xf32, #tpu.memory_space<vmem_shared>> -> memref<1x2048xf32, #tpu.memory_space<vmem_shared>>
      %dma_start3A_104 = tpu.memref_squeeze %dma_start3A_103 : memref<1x2048xf32, #tpu.memory_space<vmem_shared>> -> memref<2048xf32, #tpu.memory_space<vmem_shared>>
      %dma_start3A_105 = arith.constant 4096 : i32
      %dma_start3A_106 = tpu.memref_slice %arg5[%add3A, %dma_start3A_105] : memref<32x8192xf32, #tpu.memory_space<vmem_shared>> -> memref<1x2048xf32, #tpu.memory_space<vmem_shared>>
      %dma_start3A_107 = tpu.memref_squeeze %dma_start3A_106 : memref<1x2048xf32, #tpu.memory_space<vmem_shared>> -> memref<2048xf32, #tpu.memory_space<vmem_shared>>
      tpu.enqueue_dma source(%arg9 : memref<2048xf32, #tpu.memory_space<vmem>>) target(%dma_start3A_107 : memref<2048xf32, #tpu.memory_space<vmem_shared>>) target_semaphore(%arg15 : memref<!tpu.dma_semaphore, #tpu.memory_space<semaphore_mem>>)
      %dma_wait3A_108 = arith.constant 14336 : i32
      %dma_wait3A_109 = tpu.memref_slice %arg2[%add3A, %dma_wait3A_108] : memref<26x16384xi32, #tpu.memory_space<hbm>> -> memref<1x2048xi32, #tpu.memory_space<hbm>>
      %dma_wait3A_110 = tpu.memref_squeeze %dma_wait3A_109 : memref<1x2048xi32, #tpu.memory_space<hbm>> -> memref<2048xi32, #tpu.memory_space<hbm>>
      %dma_wait3A_111 = arith.constant 14336 : i32
      %dma_wait3A_112 = tpu.memref_slice %arg2[%add3A, %dma_wait3A_111] : memref<26x16384xi32, #tpu.memory_space<hbm>> -> memref<1x2048xi32, #tpu.memory_space<hbm>>
      %dma_wait3A_113 = tpu.memref_squeeze %dma_wait3A_112 : memref<1x2048xi32, #tpu.memory_space<hbm>> -> memref<2048xi32, #tpu.memory_space<hbm>>
      tpu.wait_dma2 semaphore(%arg14 : memref<!tpu.dma_semaphore, #tpu.memory_space<semaphore_mem>>) src(%dma_wait3A_113 : memref<2048xi32, #tpu.memory_space<hbm>>) dst(%arg8 : memref<2048xi32, #tpu.memory_space<vmem>>)
      %dma_wait3A_114 = arith.constant 2048 : i32
      %dma_wait3A_115 = tpu.memref_slice %arg5[%add3A, %dma_wait3A_114] : memref<32x8192xf32, #tpu.memory_space<vmem_shared>> -> memref<1x2048xf32, #tpu.memory_space<vmem_shared>>
      %dma_wait3A_116 = tpu.memref_squeeze %dma_wait3A_115 : memref<1x2048xf32, #tpu.memory_space<vmem_shared>> -> memref<2048xf32, #tpu.memory_space<vmem_shared>>
      %dma_wait3A_117 = arith.constant 2048 : i32
      %dma_wait3A_118 = tpu.memref_slice %arg5[%add3A, %dma_wait3A_117] : memref<32x8192xf32, #tpu.memory_space<vmem_shared>> -> memref<1x2048xf32, #tpu.memory_space<vmem_shared>>
      %dma_wait3A_119 = tpu.memref_squeeze %dma_wait3A_118 : memref<1x2048xf32, #tpu.memory_space<vmem_shared>> -> memref<2048xf32, #tpu.memory_space<vmem_shared>>
      tpu.wait_dma2 semaphore(%arg15 : memref<!tpu.dma_semaphore, #tpu.memory_space<semaphore_mem>>) src(%arg10 : memref<2048xf32, #tpu.memory_space<vmem>>) dst(%dma_wait3A_119 : memref<2048xf32, #tpu.memory_space<vmem_shared>>)
      %parallel_loop3A_120 = arith.constant 0 : i32
      %parallel_loop3A_121 = arith.constant 2048 : i32
      %parallel_loop3A_122 = arith.constant 16 : i32
      scf.for %parallel_loop3A_141 = %parallel_loop3A_120 to %parallel_loop3A_121 step %parallel_loop3A_122  : i32 {
        %parallel_loop3A_142 = arith.index_cast %parallel_loop3A_141 : i32 to index
        %parallel_loop3A_143 = tpu.vector_load %arg8[%parallel_loop3A_142] {strides = array<i32>} : memref<2048xi32, #tpu.memory_space<vmem>>, vector<16xi32>,
        %parallel_loop3A_144 = tpu.vector_load_idx %arg6[%parallel_loop3A_143] : memref<100000xf32, #tpu.memory_space<vmem>>[vector<16xi32>], vector<16xf32>,
        %parallel_loop3A_145 = arith.index_cast %parallel_loop3A_141 : i32 to index
        %parallel_loop3A_146 = tpu.vector_load %arg10[%parallel_loop3A_145] {strides = array<i32>} : memref<2048xf32, #tpu.memory_space<vmem>>, vector<16xf32>,
        tpu.vector_store %arg10[%parallel_loop3A_145], %parallel_loop3A_144 {strides = array<i32>} : memref<2048xf32, #tpu.memory_space<vmem>>, vector<16xf32>,
      } {sc.loop_unroll_factor = 8 : i64, sc.parallel_access}
      %dma_start3A_123 = arith.constant 6144 : i32
      %dma_start3A_124 = tpu.memref_slice %arg5[%add3A, %dma_start3A_123] : memref<32x8192xf32, #tpu.memory_space<vmem_shared>> -> memref<1x2048xf32, #tpu.memory_space<vmem_shared>>
      %dma_start3A_125 = tpu.memref_squeeze %dma_start3A_124 : memref<1x2048xf32, #tpu.memory_space<vmem_shared>> -> memref<2048xf32, #tpu.memory_space<vmem_shared>>
      %dma_start3A_126 = arith.constant 6144 : i32
      %dma_start3A_127 = tpu.memref_slice %arg5[%add3A, %dma_start3A_126] : memref<32x8192xf32, #tpu.memory_space<vmem_shared>> -> memref<1x2048xf32, #tpu.memory_space<vmem_shared>>
      %dma_start3A_128 = tpu.memref_squeeze %dma_start3A_127 : memref<1x2048xf32, #tpu.memory_space<vmem_shared>> -> memref<2048xf32, #tpu.memory_space<vmem_shared>>
      tpu.enqueue_dma source(%arg10 : memref<2048xf32, #tpu.memory_space<vmem>>) target(%dma_start3A_128 : memref<2048xf32, #tpu.memory_space<vmem_shared>>) target_semaphore(%arg15 : memref<!tpu.dma_semaphore, #tpu.memory_space<semaphore_mem>>)
      %dma_wait3A_129 = arith.constant 4096 : i32
      %dma_wait3A_130 = tpu.memref_slice %arg5[%add3A, %dma_wait3A_129] : memref<32x8192xf32, #tpu.memory_space<vmem_shared>> -> memref<1x2048xf32, #tpu.memory_space<vmem_shared>>
      %dma_wait3A_131 = tpu.memref_squeeze %dma_wait3A_130 : memref<1x2048xf32, #tpu.memory_space<vmem_shared>> -> memref<2048xf32, #tpu.memory_space<vmem_shared>>
      %dma_wait3A_132 = arith.constant 4096 : i32
      %dma_wait3A_133 = tpu.memref_slice %arg5[%add3A, %dma_wait3A_132] : memref<32x8192xf32, #tpu.memory_space<vmem_shared>> -> memref<1x2048xf32, #tpu.memory_space<vmem_shared>>
      %dma_wait3A_134 = tpu.memref_squeeze %dma_wait3A_133 : memref<1x2048xf32, #tpu.memory_space<vmem_shared>> -> memref<2048xf32, #tpu.memory_space<vmem_shared>>
      tpu.wait_dma2 semaphore(%arg15 : memref<!tpu.dma_semaphore, #tpu.memory_space<semaphore_mem>>) src(%arg9 : memref<2048xf32, #tpu.memory_space<vmem>>) dst(%dma_wait3A_134 : memref<2048xf32, #tpu.memory_space<vmem_shared>>)
      %dma_wait3A_135 = arith.constant 6144 : i32
      %dma_wait3A_136 = tpu.memref_slice %arg5[%add3A, %dma_wait3A_135] : memref<32x8192xf32, #tpu.memory_space<vmem_shared>> -> memref<1x2048xf32, #tpu.memory_space<vmem_shared>>
      %dma_wait3A_137 = tpu.memref_squeeze %dma_wait3A_136 : memref<1x2048xf32, #tpu.memory_space<vmem_shared>> -> memref<2048xf32, #tpu.memory_space<vmem_shared>>
      %dma_wait3A_138 = arith.constant 6144 : i32
      %dma_wait3A_139 = tpu.memref_slice %arg5[%add3A, %dma_wait3A_138] : memref<32x8192xf32, #tpu.memory_space<vmem_shared>> -> memref<1x2048xf32, #tpu.memory_space<vmem_shared>>
      %dma_wait3A_140 = tpu.memref_squeeze %dma_wait3A_139 : memref<1x2048xf32, #tpu.memory_space<vmem_shared>> -> memref<2048xf32, #tpu.memory_space<vmem_shared>>
      tpu.wait_dma2 semaphore(%arg15 : memref<!tpu.dma_semaphore, #tpu.memory_space<semaphore_mem>>) src(%arg10 : memref<2048xf32, #tpu.memory_space<vmem>>) dst(%dma_wait3A_140 : memref<2048xf32, #tpu.memory_space<vmem_shared>>)
    } else {
    }
    %barrier3A_24 = arith.constant 0 : index
    tpu.barrier barrier_id(%barrier3A_24)
    %scan3A_25 = arith.constant 0 : i32
    %scan3A_26 = arith.constant 0 : i32
    %scan3A_27 = arith.constant 4 : i32
    %scan3A_28 = arith.addi %scan3A_26, %scan3A_27 : i32
    %scan3A_29 = arith.constant 1 : i32
    %scan3A_30 = scf.for %scan3A_36 = %scan3A_26 to %scan3A_28 step %scan3A_29 iter_args(%scan3A_37 = %scan3A_25) -> (i32)  : i32 {
      %mul3A_38 = arith.constant 512 : i32
      %mul3A_39 = arith.muli %arg1, %mul3A_38 : i32
      %mul3A_40 = arith.constant 128 : i32
      %mul3A_41 = arith.muli %scan3A_36, %mul3A_40 : i32
      %add3A_42 = arith.addi %mul3A_39, %mul3A_41 : i32
      "tpu.region"() ({
        %run_scoped3A = tpu.sem_alloc : memref<!tpu.dma_semaphore, #tpu.memory_space<semaphore_mem>>
        %dma_start3A = arith.constant 0 : i32
        %dma_start3A_51 = tpu.memref_slice %arg5[%dma_start3A, %add3A_42] : memref<32x8192xf32, #tpu.memory_space<vmem_shared>> -> memref<32x128xf32, #tpu.memory_space<vmem_shared>>
        %dma_start3A_52 = arith.constant 0 : i32
        %dma_start3A_53 = tpu.memref_slice %arg5[%dma_start3A_52, %add3A_42] : memref<32x8192xf32, #tpu.memory_space<vmem_shared>> -> memref<32x128xf32, #tpu.memory_space<vmem_shared>>
        tpu.enqueue_dma source(%dma_start3A_53 : memref<32x128xf32, #tpu.memory_space<vmem_shared>>) target(%arg11 : memref<32x128xf32, #tpu.memory_space<vmem>>) target_semaphore(%run_scoped3A : memref<!tpu.dma_semaphore, #tpu.memory_space<semaphore_mem>>)
        %dma_wait3A = arith.constant 0 : i32
        %dma_wait3A_54 = tpu.memref_slice %arg5[%dma_wait3A, %add3A_42] : memref<32x8192xf32, #tpu.memory_space<vmem_shared>> -> memref<32x128xf32, #tpu.memory_space<vmem_shared>>
        %dma_wait3A_55 = arith.constant 0 : i32
        %dma_wait3A_56 = tpu.memref_slice %arg5[%dma_wait3A_55, %add3A_42] : memref<32x8192xf32, #tpu.memory_space<vmem_shared>> -> memref<32x128xf32, #tpu.memory_space<vmem_shared>>
        tpu.wait_dma2 semaphore(%run_scoped3A : memref<!tpu.dma_semaphore, #tpu.memory_space<semaphore_mem>>) src(%dma_wait3A_56 : memref<32x128xf32, #tpu.memory_space<vmem_shared>>) dst(%arg11 : memref<32x128xf32, #tpu.memory_space<vmem>>)
        tpu.yield
      }) : () -> ()
      %scan3A_43 = arith.constant 0 : i32
      %scan3A_44 = arith.constant 0 : i32
      %scan3A_45 = arith.constant 8 : i32
      %scan3A_46 = arith.addi %scan3A_44, %scan3A_45 : i32
      %scan3A_47 = arith.constant 1 : i32
      %scan3A_48 = scf.for %scan3A_51 = %scan3A_44 to %scan3A_46 step %scan3A_47 iter_args(%scan3A_52 = %scan3A_43) -> (i32)  : i32 {
        %mul3A_53 = arith.constant 16 : i32
        %mul3A_54 = arith.muli %scan3A_51, %mul3A_53 : i32
        %get3A = arith.index_cast %arg0 : i32 to index
        %get3A_55 = arith.index_cast %mul3A_54 : i32 to index
        %get3A_56 = tpu.vector_load %arg11[%get3A, %get3A_55] {strides = array<i32>} : memref<32x128xf32, #tpu.memory_space<vmem>>, vector<16xf32>,
        %add3A_57 = arith.constant 2 : i32
        %add3A_58 = arith.addi %add3A_57, %arg0 : i32
        %mul3A_59 = arith.constant 16 : i32
        %mul3A_60 = arith.muli %scan3A_51, %mul3A_59 : i32
        %get3A_61 = arith.index_cast %add3A_58 : i32 to index
        %get3A_62 = arith.index_cast %mul3A_60 : i32 to index
        %get3A_63 = tpu.vector_load %arg11[%get3A_61, %get3A_62] {strides = array<i32>} : memref<32x128xf32, #tpu.memory_space<vmem>>, vector<16xf32>,
        %add3A_64 = arith.addf %get3A_56, %get3A_63 : vector<16xf32>
        %add3A_65 = arith.constant 4 : i32
        %add3A_66 = arith.addi %add3A_65, %arg0 : i32
        %mul3A_67 = arith.constant 16 : i32
        %mul3A_68 = arith.muli %scan3A_51, %mul3A_67 : i32
        %get3A_69 = arith.index_cast %add3A_66 : i32 to index
        %get3A_70 = arith.index_cast %mul3A_68 : i32 to index
        %get3A_71 = tpu.vector_load %arg11[%get3A_69, %get3A_70] {strides = array<i32>} : memref<32x128xf32, #tpu.memory_space<vmem>>, vector<16xf32>,
        %add3A_72 = arith.addf %add3A_64, %get3A_71 : vector<16xf32>
        %add3A_73 = arith.constant 6 : i32
        %add3A_74 = arith.addi %add3A_73, %arg0 : i32
        %mul3A_75 = arith.constant 16 : i32
        %mul3A_76 = arith.muli %scan3A_51, %mul3A_75 : i32
        %get3A_77 = arith.index_cast %add3A_74 : i32 to index
        %get3A_78 = arith.index_cast %mul3A_76 : i32 to index
        %get3A_79 = tpu.vector_load %arg11[%get3A_77, %get3A_78] {strides = array<i32>} : memref<32x128xf32, #tpu.memory_space<vmem>>, vector<16xf32>,
        %add3A_80 = arith.addf %add3A_72, %get3A_79 : vector<16xf32>
        %add3A_81 = arith.constant 8 : i32
        %add3A_82 = arith.addi %add3A_81, %arg0 : i32
        %mul3A_83 = arith.constant 16 : i32
        %mul3A_84 = arith.muli %scan3A_51, %mul3A_83 : i32
        %get3A_85 = arith.index_cast %add3A_82 : i32 to index
        %get3A_86 = arith.index_cast %mul3A_84 : i32 to index
        %get3A_87 = tpu.vector_load %arg11[%get3A_85, %get3A_86] {strides = array<i32>} : memref<32x128xf32, #tpu.memory_space<vmem>>, vector<16xf32>,
        %add3A_88 = arith.addf %add3A_80, %get3A_87 : vector<16xf32>
        %add3A_89 = arith.constant 10 : i32
        %add3A_90 = arith.addi %add3A_89, %arg0 : i32
        %mul3A_91 = arith.constant 16 : i32
        %mul3A_92 = arith.muli %scan3A_51, %mul3A_91 : i32
        %get3A_93 = arith.index_cast %add3A_90 : i32 to index
        %get3A_94 = arith.index_cast %mul3A_92 : i32 to index
        %get3A_95 = tpu.vector_load %arg11[%get3A_93, %get3A_94] {strides = array<i32>} : memref<32x128xf32, #tpu.memory_space<vmem>>, vector<16xf32>,
        %add3A_96 = arith.addf %add3A_88, %get3A_95 : vector<16xf32>
        %add3A_97 = arith.constant 12 : i32
        %add3A_98 = arith.addi %add3A_97, %arg0 : i32
        %mul3A_99 = arith.constant 16 : i32
        %mul3A_100 = arith.muli %scan3A_51, %mul3A_99 : i32
        %get3A_101 = arith.index_cast %add3A_98 : i32 to index
        %get3A_102 = arith.index_cast %mul3A_100 : i32 to index
        %get3A_103 = tpu.vector_load %arg11[%get3A_101, %get3A_102] {strides = array<i32>} : memref<32x128xf32, #tpu.memory_space<vmem>>, vector<16xf32>,
        %add3A_104 = arith.addf %add3A_96, %get3A_103 : vector<16xf32>
        %add3A_105 = arith.constant 14 : i32
        %add3A_106 = arith.addi %add3A_105, %arg0 : i32
        %mul3A_107 = arith.constant 16 : i32
        %mul3A_108 = arith.muli %scan3A_51, %mul3A_107 : i32
        %get3A_109 = arith.index_cast %add3A_106 : i32 to index
        %get3A_110 = arith.index_cast %mul3A_108 : i32 to index
        %get3A_111 = tpu.vector_load %arg11[%get3A_109, %get3A_110] {strides = array<i32>} : memref<32x128xf32, #tpu.memory_space<vmem>>, vector<16xf32>,
        %add3A_112 = arith.addf %add3A_104, %get3A_111 : vector<16xf32>
        %add3A_113 = arith.constant 16 : i32
        %add3A_114 = arith.addi %add3A_113, %arg0 : i32
        %mul3A_115 = arith.constant 16 : i32
        %mul3A_116 = arith.muli %scan3A_51, %mul3A_115 : i32
        %get3A_117 = arith.index_cast %add3A_114 : i32 to index
        %get3A_118 = arith.index_cast %mul3A_116 : i32 to index
        %get3A_119 = tpu.vector_load %arg11[%get3A_117, %get3A_118] {strides = array<i32>} : memref<32x128xf32, #tpu.memory_space<vmem>>, vector<16xf32>,
        %add3A_120 = arith.addf %add3A_112, %get3A_119 : vector<16xf32>
        %add3A_121 = arith.constant 18 : i32
        %add3A_122 = arith.addi %add3A_121, %arg0 : i32
        %mul3A_123 = arith.constant 16 : i32
        %mul3A_124 = arith.muli %scan3A_51, %mul3A_123 : i32
        %get3A_125 = arith.index_cast %add3A_122 : i32 to index
        %get3A_126 = arith.index_cast %mul3A_124 : i32 to index
        %get3A_127 = tpu.vector_load %arg11[%get3A_125, %get3A_126] {strides = array<i32>} : memref<32x128xf32, #tpu.memory_space<vmem>>, vector<16xf32>,
        %add3A_128 = arith.addf %add3A_120, %get3A_127 : vector<16xf32>
        %add3A_129 = arith.constant 20 : i32
        %add3A_130 = arith.addi %add3A_129, %arg0 : i32
        %mul3A_131 = arith.constant 16 : i32
        %mul3A_132 = arith.muli %scan3A_51, %mul3A_131 : i32
        %get3A_133 = arith.index_cast %add3A_130 : i32 to index
        %get3A_134 = arith.index_cast %mul3A_132 : i32 to index
        %get3A_135 = tpu.vector_load %arg11[%get3A_133, %get3A_134] {strides = array<i32>} : memref<32x128xf32, #tpu.memory_space<vmem>>, vector<16xf32>,
        %add3A_136 = arith.addf %add3A_128, %get3A_135 : vector<16xf32>
        %add3A_137 = arith.constant 22 : i32
        %add3A_138 = arith.addi %add3A_137, %arg0 : i32
        %mul3A_139 = arith.constant 16 : i32
        %mul3A_140 = arith.muli %scan3A_51, %mul3A_139 : i32
        %get3A_141 = arith.index_cast %add3A_138 : i32 to index
        %get3A_142 = arith.index_cast %mul3A_140 : i32 to index
        %get3A_143 = tpu.vector_load %arg11[%get3A_141, %get3A_142] {strides = array<i32>} : memref<32x128xf32, #tpu.memory_space<vmem>>, vector<16xf32>,
        %add3A_144 = arith.addf %add3A_136, %get3A_143 : vector<16xf32>
        %add3A_145 = arith.constant 24 : i32
        %add3A_146 = arith.addi %add3A_145, %arg0 : i32
        %mul3A_147 = arith.constant 16 : i32
        %mul3A_148 = arith.muli %scan3A_51, %mul3A_147 : i32
        %get3A_149 = arith.index_cast %add3A_146 : i32 to index
        %get3A_150 = arith.index_cast %mul3A_148 : i32 to index
        %get3A_151 = tpu.vector_load %arg11[%get3A_149, %get3A_150] {strides = array<i32>} : memref<32x128xf32, #tpu.memory_space<vmem>>, vector<16xf32>,
        %add3A_152 = arith.addf %add3A_144, %get3A_151 : vector<16xf32>
        %mul3A_153 = arith.constant 128 : i32
        %mul3A_154 = arith.muli %scan3A_36, %mul3A_153 : i32
        %mul3A_155 = arith.constant 16 : i32
        %mul3A_156 = arith.muli %scan3A_51, %mul3A_155 : i32
        %add3A_157 = arith.addi %mul3A_154, %mul3A_156 : i32
        %swap3A = arith.index_cast %add3A_157 : i32 to index
        %swap3A_158 = tpu.vector_load %arg12[%swap3A] {strides = array<i32>} : memref<512xf32, #tpu.memory_space<vmem>>, vector<16xf32>,
        tpu.vector_store %arg12[%swap3A], %add3A_152 {strides = array<i32>} : memref<512xf32, #tpu.memory_space<vmem>>, vector<16xf32>,
        %scan3A_159 = arith.constant 0 : i32
        scf.yield %scan3A_159 : i32
      }
      %scan3A_49 = arith.constant 8 : i32
      %scan3A_50 = arith.constant 0 : i32
      scf.yield %scan3A_50 : i32
    }
    %scan3A_31 = arith.constant 4 : i32
    %mul3A_32 = arith.constant 512 : i32
    %mul3A_33 = arith.muli %arg1, %mul3A_32 : i32
    %add3A_34 = arith.constant 8192 : i32
    %add3A_35 = arith.addi %add3A_34, %mul3A_33 : i32
    "tpu.region"() ({
      %run_scoped3A = tpu.sem_alloc : memref<!tpu.dma_semaphore, #tpu.memory_space<semaphore_mem>>
      %dma_start3A = tpu.memref_slice %arg4[%arg0, %add3A_35] : memref<2x16384xf32, #tpu.memory_space<hbm>> -> memref<1x512xf32, #tpu.memory_space<hbm>>
      %dma_start3A_36 = tpu.memref_squeeze %dma_start3A : memref<1x512xf32, #tpu.memory_space<hbm>> -> memref<512xf32, #tpu.memory_space<hbm>>
      %dma_start3A_37 = tpu.memref_slice %arg4[%arg0, %add3A_35] : memref<2x16384xf32, #tpu.memory_space<hbm>> -> memref<1x512xf32, #tpu.memory_space<hbm>>
      %dma_start3A_38 = tpu.memref_squeeze %dma_start3A_37 : memref<1x512xf32, #tpu.memory_space<hbm>> -> memref<512xf32, #tpu.memory_space<hbm>>
      tpu.enqueue_dma source(%arg12 : memref<512xf32, #tpu.memory_space<vmem>>) target(%dma_start3A_38 : memref<512xf32, #tpu.memory_space<hbm>>) target_semaphore(%run_scoped3A : memref<!tpu.dma_semaphore, #tpu.memory_space<semaphore_mem>>)
      %dma_wait3A = tpu.memref_slice %arg4[%arg0, %add3A_35] : memref<2x16384xf32, #tpu.memory_space<hbm>> -> memref<1x512xf32, #tpu.memory_space<hbm>>
      %dma_wait3A_39 = tpu.memref_squeeze %dma_wait3A : memref<1x512xf32, #tpu.memory_space<hbm>> -> memref<512xf32, #tpu.memory_space<hbm>>
      %dma_wait3A_40 = tpu.memref_slice %arg4[%arg0, %add3A_35] : memref<2x16384xf32, #tpu.memory_space<hbm>> -> memref<1x512xf32, #tpu.memory_space<hbm>>
      %dma_wait3A_41 = tpu.memref_squeeze %dma_wait3A_40 : memref<1x512xf32, #tpu.memory_space<hbm>> -> memref<512xf32, #tpu.memory_space<hbm>>
      tpu.wait_dma2 semaphore(%run_scoped3A : memref<!tpu.dma_semaphore, #tpu.memory_space<semaphore_mem>>) src(%arg12 : memref<512xf32, #tpu.memory_space<vmem>>) dst(%dma_wait3A_41 : memref<512xf32, #tpu.memory_space<hbm>>)
      tpu.yield
    }) : () -> ()
    return
  }
}

</mosaic_0001>

<sc_bundles>
// kernel: kernel.3.cloned.1.call-start
scs
__scs_entry_jumppad:
0x0: {  	(pc) =	sbr.rel $0x88, $3  }
0x1: {  	(tag) =	ssettag $0x0;
	lr =	simm.s32 $0x1  }
0x2: {  	[smem:$0x3F9F] =	sst lr;
	_ =	strace $0xD0000000  }
0x3: {  	_ = 	snop  }
0x4: {  	_ = 	snop  }
0x5: {  	_ = 	snop  }
0x6: {  	_ = 	snop  }
0x7: {  	_ = 	snop  }
__scs_overlays_trampoline_lowered:
0x8: {  	[smem:$0x3FAE] =	sst s0  }
0x9: {  	[smem:$0x3FAF] =	sst s1  }
0xa: {  	[smem:$0x3FB0] =	sst s2  }
0xb: {  	[smem:$0x3FB1] =	sst s3  }
0xc: {  	[smem:$0x3FB2] =	sst s4  }
0xd: {  	[smem:$0x3FB3] =	sst s5  }
0xe: {  	[smem:$0x3FB4] =	sst s6  }
0xf: {  	[smem:$0x3FB5] =	sst s7  }
0x10: {  	[smem:$0x3FB6] =	sst s8  }
0x11: {  	[smem:$0x3FB7] =	sst s9;
	s0 =	simm.s32 @!p0 $0x0  }
0x12: {  	s1 =	sld [smem:$0x3F9D];
	s0 =	simm.s32 @p0 $0x1  }
0x13: {  	[smem:$0x3FB8] =	sst s0;
	s0 =	simm.s32 @!p1 $0x0  }
0x14: {  	s2 =	sld [smem:$0x3F9C];
	s0 =	simm.s32 @p1 $0x1  }
0x15: {  	[smem:$0x3FB9] =	sst s0;
	s0 =	simm.s32 @!p2 $0x0  }
0x16: {  	s3 =	sld [smem:$0x3FDB];
	s0 =	simm.s32 @p2 $0x1  }
0x17: {  	s4 =	simm.s32 $0x1BF5;
	[smem:$0x3FBB] =	sst s0  }
0x18: {  	s0 =	sld [smem:$0x3F9E];
	_ =	swait.ge [sflag:s4], $0x0  }
0x19: {  	s7 =	sld [smem:$0x3F9F]  }
0x1a: {  	s8 =	sadd.s32 $0xFFFFE003, lr  }
0x1b: {  	s9 =	sadd.s32 $0xFFFFFEF7, lr;
	s5 =	simm.s32 $0xFFFFFFFF;
	p2 =	slt.u32 s8, $0xFFFFF086  }
0x1c: {  	p1 =	slt.u32 s9, $0xF7A;
	s5 =	simm.s32 @!p2 $0x0  }
0x1d: {  	s5 =	simm.s32 @p1 $0x1;
	p0 =	seq.s32 s7, s2  }
0x1e: {  	s7 =	smul.u32 @!p0 $0xF7A, s2;
	p2 =	seq.s32 @!p0 s5, $0x0  }
0x1f: {  	s9 =	smul.u32 $0xF7A, s1;
	s8 =	simm.s32 @!p0 $0x1BF5;
	p2 =	por !p2, p0  }
0x20: {  	[sflag:s8] =	ssyncset.s32 @!p0 $0xFFFFF086;
	s6 =	sadd.s32 @!p0 s3, s7;
	s7 =	simm.s32 @!p0 $0x108  }
0x21: {  	s3 =	sadd.s32 s3, s9;
	s6 =	sadd.s32 @!p0 $0x88, s6;
	s7 =	simm.s32 @p2 $0x1082  }
0x22: {  	[simem:s7], [sflag:s8] =	dma.local @!p0 [hbm:s6], $0xF7A  }
0x23: {  	s9 =	sor.u32 $0xD0000000, s2;
	s6 =	simm.s32 $0x108;
	_ =	swait.ge @!p0 [sflag:s8], $0x0  }
0x24: {  	s3 =	sadd.s32 $0x88, s3;
	s6 =	simm.s32 @!p1 $0x1082;
	[sflag:s4] =	ssyncset.s32 $0xFFFFF086  }
0x25: {  	[simem:s6], [sflag:s4] =	dma.local [hbm:s3], $0xF7A  }
0x26: {  	[smem:$0x3F9F] =	sst s1;
	(tag) =	ssettag s2;
	_ =	strace s9  }
0x27: {  	s1 =	sld [smem:$0x3FAF]  }
0x28: {  	s2 =	sld [smem:$0x3FB0]  }
0x29: {  	s4 =	sld [smem:$0x3FB2]  }
0x2a: {  	p0 =	seq.s32 s5, $0x0;
	s5 =	sld [smem:$0x3FB3]  }
0x2b: {  	s6 =	sld [smem:$0x3FB4]  }
0x2c: {  	s7 =	sld [smem:$0x3FB5]  }
0x2d: {  	s3 =	simm.s32 $0x108;
	s8 =	sld [smem:$0x3FB6]  }
0x2e: {  	s3 =	simm.s32 @!p0 $0x1082;
	s9 =	sld [smem:$0x3FB7]  }
0x2f: {  	lr =	sadd.s32 s0, s3;
	s0 =	sld [smem:$0x3FAE]  }
0x30: {  	s3 =	sld [smem:$0x3FB1]  }
0x31: {  	[smem:$0x3FBA] =	sst s10  }
0x32: {  	s10 =	sld [smem:$0x3FB8];
	_ =	sdelay $0x3  }
0x33: {  	p0 =	seq.s32 s10, $0x1;
	s10 =	sld [smem:$0x3FBA];
	_ =	sdelay $0x3  }
0x34: {  	[smem:$0x3FBA] =	sst s10  }
0x35: {  	s10 =	sld [smem:$0x3FB9];
	_ =	sdelay $0x3  }
0x36: {  	p1 =	seq.s32 s10, $0x1;
	s10 =	sld [smem:$0x3FBA];
	_ =	sdelay $0x3  }
0x37: {  	[smem:$0x3FBA] =	sst s10  }
0x38: {  	s10 =	sld [smem:$0x3FBB]  }
0x39: {  	_ = 	snop;
	(pc) =	sbr.ind lr, $3  }
0x3a: {  	_ = 	snop  }
0x3b: {  	_ = 	snop  }
0x3c: {  	p2 =	seq.s32 s10, $0x1;
	s10 =	sld [smem:$0x3FBA]  }
0x3d: {  	_ =	shalt  }
0x3e: {  	_ =	shalt  }
0x3f: {  	_ =	shalt  }
0x40: {  	_ =	shalt  }
0x41: {  	_ =	shalt  }
0x42: {  	_ =	shalt  }
0x43: {  	_ =	shalt  }
0x44: {  	_ =	shalt  }
0x45: {  	_ =	shalt  }
0x46: {  	_ =	shalt  }
0x47: {  	_ =	shalt  }
0x48: {  	_ =	shalt  }
0x49: {  	_ =	shalt  }
0x4a: {  	_ =	shalt  }
0x4b: {  	_ =	shalt  }
0x4c: {  	_ =	shalt  }
0x4d: {  	_ =	shalt  }
0x4e: {  	_ =	shalt  }
0x4f: {  	_ =	shalt  }
0x50: {  	_ =	shalt  }
0x51: {  	_ =	shalt  }
0x52: {  	_ =	shalt  }
0x53: {  	_ =	shalt  }
0x54: {  	_ =	shalt  }
0x55: {  	_ =	shalt  }
0x56: {  	_ =	shalt  }
0x57: {  	_ =	shalt  }
0x58: {  	_ =	shalt  }
0x59: {  	_ =	shalt  }
0x5a: {  	_ =	shalt  }
0x5b: {  	_ =	shalt  }
0x5c: {  	_ =	shalt  }
0x5d: {  	_ =	shalt  }
0x5e: {  	_ =	shalt  }
0x5f: {  	_ =	shalt  }
0x60: {  	_ =	shalt  }
0x61: {  	_ =	shalt  }
0x62: {  	_ =	shalt  }
0x63: {  	_ =	shalt  }
0x64: {  	_ =	shalt  }
0x65: {  	_ =	shalt  }
0x66: {  	_ =	shalt  }
0x67: {  	_ =	shalt  }
0x68: {  	_ =	shalt  }
0x69: {  	_ =	shalt  }
0x6a: {  	_ =	shalt  }
0x6b: {  	_ =	shalt  }
0x6c: {  	_ =	shalt  }
0x6d: {  	_ =	shalt  }
0x6e: {  	_ =	shalt  }
0x6f: {  	_ =	shalt  }
0x70: {  	_ =	shalt  }
0x71: {  	_ =	shalt  }
0x72: {  	_ =	shalt  }
0x73: {  	_ =	shalt  }
0x74: {  	_ =	shalt  }
0x75: {  	_ =	shalt  }
0x76: {  	_ =	shalt  }
0x77: {  	_ =	shalt  }
0x78: {  	_ =	shalt  }
0x79: {  	_ =	shalt  }
0x7a: {  	_ =	shalt  }
0x7b: {  	_ =	shalt  }
0x7c: {  	_ =	shalt  }
0x7d: {  	_ =	shalt  }
0x7e: {  	_ =	shalt  }
0x7f: {  	_ =	shalt  }
0x80: {  	_ =	shalt  }
0x81: {  	_ =	shalt  }
0x82: {  	_ =	shalt  }
0x83: {  	_ =	shalt  }
0x84: {  	_ =	shalt  }
0x85: {  	_ =	shalt  }
0x86: {  	_ =	shalt  }
0x87: {  	_ =	shalt  }
.Lfunc_end0:
.L_simem_size_0:
called_computation_lowered:
.L_overlay_start_0:
0x88: {  	s2 =	sld [smem:$0x3FD9]  }
0x89: {  	s3 =	sld [smem:$0x3FFE];
	_ =	sdelay $0x1  }
0x8a: {  	s1 =	srdreg.scid  }
0x8b: {  	s0 =	sand.u32 $0x1, s1  }
0x8c: {  	s17 =	sshll.u32 s0, $0xA;
	s2 =	sadd.s32 s3, s2  }
0x8d: {  	s2 =	sadd.s32 s2, s17  }
0x8e: {  	[smem:$0x3FC6] =	sst s2  }
0x8f: {  	_ = 	snop  }
0x90: {  	s2 =	sld [smem:$0x3FC9];
	(tm) =	ssettm $0x1  }
0x91: {  	s18 =	sld [smem:$0x3FFB];
	_ =	sdelay $0x3  }
0x92: {  	_ =	strace s18  }
0x93: {  	s3 =	sld [smem:$0x3FFC];
	_ =	sdelay $0x3  }
0x94: {  	_ =	strace s3  }
0x95: {  	s3 =	sld [smem:$0x3FFD];
	_ =	sdelay $0x3  }
0x96: {  	_ =	strace s3  }
0x97: {  	_ =	strace $0x8FFFFFFF  }
0x98: {  	s19 =	sld [smem:$0x3FDB];
	_ =	sdelay $0x1  }
0x99: {  	s4 =	simm.s32 $_scs_section_size  }
0x9a: {  	s5 =	simm.s32 $_size__tile_overlayer_lowered;
	s6 =	simm.s32 $_tile_overlayer_lowered  }
0x9b: {  	s22 =	simm.s32 $0x1BFF;
	s21 =	sshll.u32 s6, $0x1;
	s3 =	sadd.s32 s4, s19  }
0x9c: {  	s7 =	simm.s32 $0x0;
	s20 =	sshll.u32 s5, $0x1;
	s5 =	sadd.s32 s21, s3  }
0x9d: {  	[timem:s7], [sflag:s22] =	dma.local [hbm:s5], s20  }
0x9e: {  	_ =	swait.ge [sflag:s22], s20  }
0x9f: {  	s4 =	ssub.s32 $0x0, s20;
	[sflag:s22] =	ssyncset.done $0x0  }
0xa0: {  	[sflag:s22] =	ssyncadd.s32 s4;
	_ =	sdelay $0x1  }
0xa1: {  	s23 =	simm.s32 $0x1B8B  }
0xa2: {  	_ =	swait.ge [sflag:s23], $0x1  }
0xa3: {  	[sflag:s23] =	ssyncset.done $0x0  }
0xa4: {  	s25 =	simm.s32 $0x1B8E;
	s24 =	sld [smem:$0x3FFE];
	[sflag:s23] =	ssyncadd.s32 $0xFFFFFFFF  }
0xa5: {  	s26 =	simm.s32 $execute0_lowered;
	[smem:$0x3FD2] =	sst s25  }
0xa6: {  	s5 =	sshll.u32 s26, $0x1;
	_ =	strace $0x80000046;
	[dreg:$0x1] =	wrdreg $0xFFFFFFFF  }
0xa7: {  	s28 =	simm.s32 $_size_execute0_lowered;
	s3 =	sadd.s32 s3, s5;
	[dreg:$0x0] =	wrdreg $0x0  }
0xa8: {  	s5 =	sshll.u32 s28, $0x1;
	[dreg:$0x2] =	wrdreg s3  }
0xa9: {  	[dreg:$0x3] =	wrdreg s5  }
0xaa: {  	[dreg:$0x4] =	wrdreg $0xC0  }
0xab: {  	_ =	task [dreg:s7], $0x5FFFF  }
0xac: {  	[dreg:$0x1] =	wrdreg $0xFFFFFFFF  }
0xad: {  	[dreg:$0x0] =	wrdreg $0x60  }
0xae: {  	[dreg:$0x2] =	wrdreg s2  }
0xaf: {  	[dreg:$0x3] =	wrdreg s24  }
0xb0: {  	[dreg:$0x4] =	wrdreg $0x0  }
0xb1: {  	[dreg:$0x5] =	wrdreg $0x9  }
0xb2: {  	_ =	task.clear_ibuf [dreg:s7], $0x6FFFF;
	_ =	strace $0x90000046  }
0xb3: {  	s29 =	simm.s32 $0x9;
	_ =	strace $0x80000048  }
0xb4: {  	_ =	swait.ge [sflag:s29], $0x1  }
0xb5: {  	[sflag:s29] =	ssyncadd.s32 $0xFFFFFFFF  }
0xb6: {  	_ =	strace $0x90000048  }
0xb7: {  	_ =	sfence  }
0xb8: {  	s30 =	sld [smem:$0x0];
	_ =	sdelay $0x2  }
0xb9: {  	s31 =	sshll.u32 s1, $0xD;
	s1 =	sshrl.u32 s1, $0x2  }
0xba: {  	s3 =	sand.u32 $0x4000, s31;
	s1 =	sadd.s32 s1, s30  }
0xbb: {  	s0 =	sor.u32 s3, s0;
	s1 =	sshll.u32 s1, $0x11  }
0xbc: {  	s0 =	sor.u32 s1, s0  }
0xbd: {  	s0 =	sadd.s32 $0x8F2B, s0  }
0xbe: {  	[sflag:s0] =	ssyncadd.remote.s32 $0x1  }
0xbf: {  	_ =	sfence.sel $0xFFFF  }
0xc0: {  	[dreg:$0x0] =	wrdreg $0xFFFFFFFF;
	(pc) =	sbr.abs _section_cstart, $3  }
0xc1: {  	[dreg:$0x1] =	wrdreg $0xFFFFFFFF  }
0xc2: {  	_ =	task.clear_ibuf [dreg:s7], $0x2FFFF;
	_ =	strace $0x9FFFFFFF  }
0xc3: {  	(tm) =	ssettm $0x7FFFFFFF  }
tec
execute0_lowered:
.L_overlay_start_1:
0x0: {  	(tag) =	ssettag $0x1  }
0x1: {  	s0 =	rddreg [dreg:$0x0]  }
0x2: {  	s1 =	rddreg [dreg:$0x1]  }
0x3: {  	s5 =	rddreg [dreg:$0x2];
	s2 =	simm.s32 $0x0;
	s3 =	srdreg.scid  }
0x4: {  	s15 =	stileid.u32;
	s28 =	simm.s32 $0x1CF00;
	s29 =	simm.s32 $0x1D700  }
0x5: {  	s30 =	simm.s32 $0x1DF00;
	s31 =	simm.s32 $0x3;
	s4 =	sand.u32 $0x1, s3  }
0x6: {  	s6 =	sshrl.u32 s15, $0x2;
	s7 =	sshll.u32 s15, $0x8;
	[smem:$0x7FF] =	sst s2  }
0x7: {  	s10 =	sshll.u32 s15, $0x7;
	s23 =	sshll.u32 s15, $0xC;
	p0 =	sgt.u32 s15, $0xC  }
0x8: {  	s3 =	sshll.u32 s4, $0x7;
	s7 =	sand.u32 $0x300, s7;
	s8 =	smul.u32 $0xC3800, s6  }
0x9: {  	_ =	strace $0x80000047;
	s9 =	sshll.u32 s4, $0x4;
	s14 =	sshll.u32 s6, $0x11  }
0xa: {  	s4 =	ssub.s32 $0x2, s4;
	s6 =	sshll.u32 s6, $0x10;
	s13 =	sadd.s32 s23, s5  }
0xb: {  	s23 =	simm.s32 $0x4000;
	s7 =	sor.u32 s3, s7;
	s9 =	sor.u32 s9, s10  }
0xc: {  	s17 =	sshrl.u32 s4, $0x1;
	s18 =	sadd.s32 s6, s5;
	s5 =	simm.s32 $0x4  }
0xd: {  	s6 =	simm.s32 $0x100;
	s8 =	sor.u32 s8, s7;
	s16 =	sor.u32 s14, s7  }
0xe: {  	s10 =	ssub.s32 s4, s17;
	s7 =	sadd.s32 s7, s18;
	s8 =	sshrl.u32 s8, $0x3  }
0xf: {  	s8 =	sadd.s32 s8, s1;
	s1 =	sadd.s32 s9, s1;
	s9 =	sshrl.u32 s16, $0x3  }
0x10: {  	s11 =	sadd.s32 $0x8000, s7;
	s4 =	sadd.s32 s0, s9;
	s19 =	sadd.s32 $0x400, s8  }
0x11: {  	s12 =	sadd.s32 $0xC000, s7;
	[dreg:$0x4] =	wrdreg s19;
	s20 =	sadd.s32 $0x800, s4  }
0x12: {  	s9 =	sadd.s32 $0x4000, s7;
	s21 =	sadd.s32 $0x1000, s4;
	[dreg:$0x5] =	wrdreg s20  }
0x13: {  	s14 =	sadd.s32 $0x62000, s1;
	s22 =	sadd.s32 $0x1800, s4;
	[dreg:$0x6] =	wrdreg s21  }
0x14: {  	s0 =	simm.s32 $0x10000;
	s24 =	sadd.s32 $0x2000, s4;
	[dreg:$0x7] =	wrdreg s22  }
0x15: {  	s8 =	simm.s32 $0x1F700;
	s25 =	sadd.s32 $0x2800, s4;
	[dreg:$0x8] =	wrdreg s24  }
0x16: {  	s26 =	sadd.s32 $0x3000, s4;
	s18 =	sadd.s32 $0x3800, s4;
	[dreg:$0x9] =	wrdreg s25  }
0x17: {  	s19 =	sadd.s32 $0x62800, s1;
	s1 =	simm.s32 $0x1E700;
	[dreg:$0xa] =	wrdreg s26  }
0x18: {  	s20 =	smax.u32 s10, $0x1;
	s21 =	simm.s32 $0x80;
	s22 =	simm.s32 $0x400  }
0x19: {  	s24 =	simm.s32 $0x1C700;
	s25 =	simm.s32 $0x1;
	s26 =	simm.s32 $0x2  }
.LBB2_1:
.Ltmp0:
0x1a: {  	(pc) =	sbr.rel @p0 .LBB2_11-.Ltmp0, $1  }
0x1b: {  	_ =	sdelay $0x3  }
0x1c: {  	s10 =	rddreg [dreg:$0x4]  }
0x1d: {  	[tilespmem:s23], [sflag:$0x1] =	stream.strided.gather [hbm4b:s10+s21], $0x18700, s22, s21, $0x38;
	[tilespmem:$0x1F900] =	vst v63  }
0x1e: {  	_ = 	snop  }
0x1f: {  	[tilespmem:s24], [sflag:$0x2] =	stream.strided.gather [hbm4b:s4+s21], $0x800, s22, s21, $0x38;
	[tilespmem:$0x1F900] =	vst v63  }
0x20: {  	_ =	swait.ge [sflag:s25], $0x18700  }
0x21: {  	[sflag:s25] =	ssyncset.done $0x0  }
0x22: {  	[sflag:s25] =	ssyncadd.s32 $0xFFFE7900  }
0x23: {  	_ =	swait.ge [sflag:s26], $0x800  }
0x24: {  	[sflag:s26] =	ssyncset.done $0x0  }
0x25: {  	s17 =	simm.s32 $0x1C740;
	s16 =	rddreg [dreg:$0x5];
	[sflag:s26] =	ssyncadd.s32 $0xFFFFF800  }
0x26: {  	[tilespmem:s28], [sflag:$0x2] =	stream.strided.gather [hbm4b:s16+s21], $0x800, s22, s21, $0x38;
	[tilespmem:$0x1F900] =	vst v63  }
0x27: {  	v0 =	vld [tilespmem:s17+$0x30]  }
0x28: {  	v1 =	vld [tilespmem:s17+$0xFFFFFFD0]  }
0x29: {  	v2 =	vld [tilespmem:s17+$0xFFFFFFE0]  }
0x2a: {  	v3 =	vld [tilespmem:s17+$0xFFFFFFF0]  }
0x2b: {  	v4 =	vld [tilespmem:s17+$0x0]  }
0x2c: {  	v6 =	vld [tilespmem:s17+$0x10]  }
0x2d: {  	v7 =	vld [tilespmem:s17+$0x20]  }
0x2e: {  	v8 =	vld [tilespmem:s17+$0xFFFFFFC0]  }
0x2f: {  	v9 =	vld.idx.msk [tilespmem:v0+s23+$0x0], $0xffff  }
0x30: {  	v10 =	vld.idx.msk [tilespmem:v1+s23+$0x0], $0xffff  }
0x31: {  	v5 =	vld.idx.msk [tilespmem:v2+s23+$0x0], $0xffff  }
0x32: {  	v3 =	vld.idx.msk [tilespmem:v3+s23+$0x0], $0xffff  }
0x33: {  	v0 =	vld.idx.msk [tilespmem:v4+s23+$0x0], $0xffff  }
0x34: {  	s10 =	simm.s32 $0x1D740;
	v1 =	vld.idx.msk [tilespmem:v6+s23+$0x0], $0xffff  }
0x35: {  	v2 =	vld.idx.msk [tilespmem:v7+s23+$0x0], $0xffff;
	[tilespmem:s10+$0x30] =	vst v9  }
0x36: {  	s15 =	simm.s32 $0x0;
	s16 =	simm.s32 $0x1C7C0;
	v4 =	vld.idx.msk [tilespmem:v8+s23+$0x0], $0xffff;
	[tilespmem:s10+$0xFFFFFFD0] =	vst v10  }
.LBB2_3:
0x37: {  	v6 =	vld [tilespmem:s16+$0x30];
	s15 =	sadd.s32 $0x80, s15;
	[tilespmem:s10+$0xFFFFFFE0] =	vst v5  }
0x38: {  	v5 =	vld [tilespmem:s16+$0xFFFFFFD0];
	p1 =	slt.u32 s15, $0x780;
	[tilespmem:s10+$0xFFFFFFF0] =	vst v3  }
0x39: {  	v3 =	vld [tilespmem:s16+$0xFFFFFFE0];
	[tilespmem:s10+$0x0] =	vst v0  }
0x3a: {  	v0 =	vld [tilespmem:s16+$0xFFFFFFF0];
	[tilespmem:s10+$0x10] =	vst v1  }
0x3b: {  	v1 =	vld [tilespmem:s16+$0x0];
	[tilespmem:s10+$0x20] =	vst v2  }
0x3c: {  	v2 =	vld [tilespmem:s16+$0x10];
	[tilespmem:s10+$0xFFFFFFC0] =	vst v4  }
0x3d: {  	v4 =	vld [tilespmem:s16+$0x20]  }
0x3e: {  	v7 =	vld [tilespmem:s16+$0xFFFFFFC0]  }
0x3f: {  	v6 =	vld.idx.msk [tilespmem:v6+s23+$0x0], $0xffff  }
0x40: {  	v8 =	vld.idx.msk [tilespmem:v5+s23+$0x0], $0xffff  }
0x41: {  	v5 =	vld.idx.msk [tilespmem:v3+s23+$0x0], $0xffff  }
.Ltmp1:
0x42: {  	v3 =	vld.idx.msk [tilespmem:v0+s23+$0x0], $0xffff;
	(pc) =	sbr.rel @p1 .LBB2_3-.Ltmp1, $4  }
0x43: {  	v0 =	vld.idx.msk [tilespmem:v1+s23+$0x0], $0xffff  }
0x44: {  	s10 =	sadd.s32 $0x80, s10;
	v1 =	vld.idx.msk [tilespmem:v2+s23+$0x0], $0xffff  }
0x45: {  	v2 =	vld.idx.msk [tilespmem:v4+s23+$0x0], $0xffff;
	[tilespmem:s10+$0x30] =	vst v6  }
0x46: {  	s16 =	sadd.s32 $0x80, s16;
	v4 =	vld.idx.msk [tilespmem:v7+s23+$0x0], $0xffff;
	[tilespmem:s10+$0xFFFFFFD0] =	vst v8  }
0x47: {  	[tilespmem:s10+$0xFFFFFFE0] =	vst v5  }
0x48: {  	[tilespmem:s10+$0xFFFFFFF0] =	vst v3  }
0x49: {  	[tilespmem:s10+$0x0] =	vst v0  }
0x4a: {  	[tilespmem:s10+$0x10] =	vst v1  }
0x4b: {  	[tilespmem:s10+$0x20] =	vst v2  }
0x4c: {  	[tilespmem:s10+$0xFFFFFFC0] =	vst v4  }
0x4d: {  	[spmem:s7] =	stream.strided.scatter [tilespmem:s29], [sflag:$0x3], $0x800, s22, s21, $0x38;
	[tilespmem:$0x1F900] =	vst v63  }
0x4e: {  	_ =	swait.ge [sflag:s26], $0x800  }
0x4f: {  	[sflag:s26] =	ssyncset.done $0x0  }
0x50: {  	s17 =	simm.s32 $0x1CF40;
	s16 =	rddreg [dreg:$0x6];
	[sflag:s26] =	ssyncadd.s32 $0xFFFFF800  }
0x51: {  	[tilespmem:s24], [sflag:$0x2] =	stream.strided.gather [hbm4b:s16+s21], $0x800, s22, s21, $0x38;
	[tilespmem:$0x1F900] =	vst v63  }
0x52: {  	v0 =	vld [tilespmem:s17+$0x30]  }
0x53: {  	v1 =	vld [tilespmem:s17+$0xFFFFFFD0]  }
0x54: {  	v2 =	vld [tilespmem:s17+$0xFFFFFFE0]  }
0x55: {  	v3 =	vld [tilespmem:s17+$0xFFFFFFF0]  }
0x56: {  	v4 =	vld [tilespmem:s17+$0x0]  }
0x57: {  	v6 =	vld [tilespmem:s17+$0x10]  }
0x58: {  	v7 =	vld [tilespmem:s17+$0x20]  }
0x59: {  	v8 =	vld [tilespmem:s17+$0xFFFFFFC0]  }
0x5a: {  	v9 =	vld.idx.msk [tilespmem:v0+s23+$0x0], $0xffff  }
0x5b: {  	v10 =	vld.idx.msk [tilespmem:v1+s23+$0x0], $0xffff  }
0x5c: {  	v5 =	vld.idx.msk [tilespmem:v2+s23+$0x0], $0xffff  }
0x5d: {  	v3 =	vld.idx.msk [tilespmem:v3+s23+$0x0], $0xffff  }
0x5e: {  	v0 =	vld.idx.msk [tilespmem:v4+s23+$0x0], $0xffff  }
0x5f: {  	s10 =	simm.s32 $0x1DF40;
	v1 =	vld.idx.msk [tilespmem:v6+s23+$0x0], $0xffff  }
0x60: {  	v2 =	vld.idx.msk [tilespmem:v7+s23+$0x0], $0xffff;
	[tilespmem:s10+$0x30] =	vst v9  }
0x61: {  	s15 =	simm.s32 $0x0;
	s16 =	simm.s32 $0x1CFC0;
	v4 =	vld.idx.msk [tilespmem:v8+s23+$0x0], $0xffff;
	[tilespmem:s10+$0xFFFFFFD0] =	vst v10  }
.LBB2_5:
0x62: {  	v6 =	vld [tilespmem:s16+$0x30];
	s15 =	sadd.s32 $0x80, s15;
	[tilespmem:s10+$0xFFFFFFE0] =	vst v5  }
0x63: {  	v5 =	vld [tilespmem:s16+$0xFFFFFFD0];
	p1 =	slt.u32 s15, $0x780;
	[tilespmem:s10+$0xFFFFFFF0] =	vst v3  }
0x64: {  	v3 =	vld [tilespmem:s16+$0xFFFFFFE0];
	[tilespmem:s10+$0x0] =	vst v0  }
0x65: {  	v0 =	vld [tilespmem:s16+$0xFFFFFFF0];
	[tilespmem:s10+$0x10] =	vst v1  }
0x66: {  	v1 =	vld [tilespmem:s16+$0x0];
	[tilespmem:s10+$0x20] =	vst v2  }
0x67: {  	v2 =	vld [tilespmem:s16+$0x10];
	[tilespmem:s10+$0xFFFFFFC0] =	vst v4  }
0x68: {  	v4 =	vld [tilespmem:s16+$0x20]  }
0x69: {  	v7 =	vld [tilespmem:s16+$0xFFFFFFC0]  }
0x6a: {  	v6 =	vld.idx.msk [tilespmem:v6+s23+$0x0], $0xffff  }
0x6b: {  	v8 =	vld.idx.msk [tilespmem:v5+s23+$0x0], $0xffff  }
0x6c: {  	v5 =	vld.idx.msk [tilespmem:v3+s23+$0x0], $0xffff  }
.Ltmp2:
0x6d: {  	v3 =	vld.idx.msk [tilespmem:v0+s23+$0x0], $0xffff;
	(pc) =	sbr.rel @p1 .LBB2_5-.Ltmp2, $4  }
0x6e: {  	v0 =	vld.idx.msk [tilespmem:v1+s23+$0x0], $0xffff  }
0x6f: {  	s10 =	sadd.s32 $0x80, s10;
	v1 =	vld.idx.msk [tilespmem:v2+s23+$0x0], $0xffff  }
0x70: {  	v2 =	vld.idx.msk [tilespmem:v4+s23+$0x0], $0xffff;
	[tilespmem:s10+$0x30] =	vst v6  }
0x71: {  	s16 =	sadd.s32 $0x80, s16;
	v4 =	vld.idx.msk [tilespmem:v7+s23+$0x0], $0xffff;
	[tilespmem:s10+$0xFFFFFFD0] =	vst v8  }
0x72: {  	[tilespmem:s10+$0xFFFFFFE0] =	vst v5  }
0x73: {  	[tilespmem:s10+$0xFFFFFFF0] =	vst v3  }
0x74: {  	[tilespmem:s10+$0x0] =	vst v0  }
0x75: {  	[tilespmem:s10+$0x10] =	vst v1  }
0x76: {  	[tilespmem:s10+$0x20] =	vst v2  }
0x77: {  	[tilespmem:s10+$0xFFFFFFC0] =	vst v4  }
0x78: {  	[spmem:s9] =	stream.strided.scatter [tilespmem:s30], [sflag:$0x3], $0x800, s22, s21, $0x38;
	[tilespmem:$0x1F900] =	vst v63  }
0x79: {  	_ =	swait.ge [sflag:s26], $0x800  }
0x7a: {  	[sflag:s26] =	ssyncset.done $0x0  }
0x7b: {  	[sflag:s26] =	ssyncadd.s32 $0xFFFFF800  }
0x7c: {  	_ =	swait.ge [sflag:s31], $0x800  }
0x7d: {  	[sflag:s31] =	ssyncset.done $0x0  }
0x7e: {  	s17 =	simm.s32 $0x1C740;
	s16 =	rddreg [dreg:$0x7];
	[sflag:s31] =	ssyncadd.s32 $0xFFFFF800  }
0x7f: {  	[tilespmem:s28], [sflag:$0x2] =	stream.strided.gather [hbm4b:s16+s21], $0x800, s22, s21, $0x38;
	[tilespmem:$0x1F900] =	vst v63  }
0x80: {  	v0 =	vld [tilespmem:s17+$0x30]  }
0x81: {  	v1 =	vld [tilespmem:s17+$0xFFFFFFD0]  }
0x82: {  	v2 =	vld [tilespmem:s17+$0xFFFFFFE0]  }
0x83: {  	v3 =	vld [tilespmem:s17+$0xFFFFFFF0]  }
0x84: {  	v4 =	vld [tilespmem:s17+$0x0]  }
0x85: {  	v6 =	vld [tilespmem:s17+$0x10]  }
0x86: {  	v7 =	vld [tilespmem:s17+$0x20]  }
0x87: {  	v8 =	vld [tilespmem:s17+$0xFFFFFFC0]  }
0x88: {  	v9 =	vld.idx.msk [tilespmem:v0+s23+$0x0], $0xffff  }
0x89: {  	v10 =	vld.idx.msk [tilespmem:v1+s23+$0x0], $0xffff  }
0x8a: {  	v5 =	vld.idx.msk [tilespmem:v2+s23+$0x0], $0xffff  }
0x8b: {  	v3 =	vld.idx.msk [tilespmem:v3+s23+$0x0], $0xffff  }
0x8c: {  	v0 =	vld.idx.msk [tilespmem:v4+s23+$0x0], $0xffff  }
0x8d: {  	s10 =	simm.s32 $0x1D740;
	v1 =	vld.idx.msk [tilespmem:v6+s23+$0x0], $0xffff  }
0x8e: {  	v2 =	vld.idx.msk [tilespmem:v7+s23+$0x0], $0xffff;
	[tilespmem:s10+$0x30] =	vst v9  }
0x8f: {  	s15 =	simm.s32 $0x0;
	s16 =	simm.s32 $0x1C7C0;
	v4 =	vld.idx.msk [tilespmem:v8+s23+$0x0], $0xffff;
	[tilespmem:s10+$0xFFFFFFD0] =	vst v10  }
.LBB2_7:
0x90: {  	v6 =	vld [tilespmem:s16+$0x30];
	s15 =	sadd.s32 $0x80, s15;
	[tilespmem:s10+$0xFFFFFFE0] =	vst v5  }
0x91: {  	v5 =	vld [tilespmem:s16+$0xFFFFFFD0];
	p1 =	slt.u32 s15, $0x780;
	[tilespmem:s10+$0xFFFFFFF0] =	vst v3  }
0x92: {  	v3 =	vld [tilespmem:s16+$0xFFFFFFE0];
	[tilespmem:s10+$0x0] =	vst v0  }
0x93: {  	v0 =	vld [tilespmem:s16+$0xFFFFFFF0];
	[tilespmem:s10+$0x10] =	vst v1  }
0x94: {  	v1 =	vld [tilespmem:s16+$0x0];
	[tilespmem:s10+$0x20] =	vst v2  }
0x95: {  	v2 =	vld [tilespmem:s16+$0x10];
	[tilespmem:s10+$0xFFFFFFC0] =	vst v4  }
0x96: {  	v4 =	vld [tilespmem:s16+$0x20]  }
0x97: {  	v7 =	vld [tilespmem:s16+$0xFFFFFFC0]  }
0x98: {  	v6 =	vld.idx.msk [tilespmem:v6+s23+$0x0], $0xffff  }
0x99: {  	v8 =	vld.idx.msk [tilespmem:v5+s23+$0x0], $0xffff  }
0x9a: {  	v5 =	vld.idx.msk [tilespmem:v3+s23+$0x0], $0xffff  }
.Ltmp3:
0x9b: {  	v3 =	vld.idx.msk [tilespmem:v0+s23+$0x0], $0xffff;
	(pc) =	sbr.rel @p1 .LBB2_7-.Ltmp3, $4  }
0x9c: {  	v0 =	vld.idx.msk [tilespmem:v1+s23+$0x0], $0xffff  }
0x9d: {  	s10 =	sadd.s32 $0x80, s10;
	v1 =	vld.idx.msk [tilespmem:v2+s23+$0x0], $0xffff  }
0x9e: {  	v2 =	vld.idx.msk [tilespmem:v4+s23+$0x0], $0xffff;
	[tilespmem:s10+$0x30] =	vst v6  }
0x9f: {  	s16 =	sadd.s32 $0x80, s16;
	v4 =	vld.idx.msk [tilespmem:v7+s23+$0x0], $0xffff;
	[tilespmem:s10+$0xFFFFFFD0] =	vst v8  }
0xa0: {  	[tilespmem:s10+$0xFFFFFFE0] =	vst v5  }
0xa1: {  	[tilespmem:s10+$0xFFFFFFF0] =	vst v3  }
0xa2: {  	[tilespmem:s10+$0x0] =	vst v0  }
0xa3: {  	[tilespmem:s10+$0x10] =	vst v1  }
0xa4: {  	[tilespmem:s10+$0x20] =	vst v2  }
0xa5: {  	[tilespmem:s10+$0xFFFFFFC0] =	vst v4  }
0xa6: {  	[spmem:s11] =	stream.strided.scatter [tilespmem:s29], [sflag:$0x3], $0x800, s22, s21, $0x38;
	[tilespmem:$0x1F900] =	vst v63  }
0xa7: {  	_ =	swait.ge [sflag:s26], $0x800  }
0xa8: {  	[sflag:s26] =	ssyncset.done $0x0  }
0xa9: {  	[sflag:s26] =	ssyncadd.s32 $0xFFFFF800  }
0xaa: {  	_ =	swait.ge [sflag:s31], $0x800  }
0xab: {  	[sflag:s31] =	ssyncset.done $0x0  }
0xac: {  	s17 =	simm.s32 $0x1CF40;
	[sflag:s31] =	ssyncadd.s32 $0xFFFFF800  }
0xad: {  	v0 =	vld [tilespmem:s17+$0x30]  }
0xae: {  	v1 =	vld [tilespmem:s17+$0xFFFFFFD0]  }
0xaf: {  	v2 =	vld [tilespmem:s17+$0xFFFFFFE0]  }
0xb0: {  	v3 =	vld [tilespmem:s17+$0xFFFFFFF0]  }
0xb1: {  	v4 =	vld [tilespmem:s17+$0x0]  }
0xb2: {  	v6 =	vld [tilespmem:s17+$0x10]  }
0xb3: {  	v7 =	vld [tilespmem:s17+$0x20]  }
0xb4: {  	v8 =	vld [tilespmem:s17+$0xFFFFFFC0]  }
0xb5: {  	v9 =	vld.idx.msk [tilespmem:v0+s23+$0x0], $0xffff  }
0xb6: {  	v10 =	vld.idx.msk [tilespmem:v1+s23+$0x0], $0xffff  }
0xb7: {  	v5 =	vld.idx.msk [tilespmem:v2+s23+$0x0], $0xffff  }
0xb8: {  	v3 =	vld.idx.msk [tilespmem:v3+s23+$0x0], $0xffff  }
0xb9: {  	v0 =	vld.idx.msk [tilespmem:v4+s23+$0x0], $0xffff  }
0xba: {  	s10 =	simm.s32 $0x1DF40;
	v1 =	vld.idx.msk [tilespmem:v6+s23+$0x0], $0xffff  }
0xbb: {  	v2 =	vld.idx.msk [tilespmem:v7+s23+$0x0], $0xffff;
	[tilespmem:s10+$0x30] =	vst v9  }
0xbc: {  	s15 =	simm.s32 $0x0;
	s16 =	simm.s32 $0x1CFC0;
	v4 =	vld.idx.msk [tilespmem:v8+s23+$0x0], $0xffff;
	[tilespmem:s10+$0xFFFFFFD0] =	vst v10  }
.LBB2_9:
0xbd: {  	v6 =	vld [tilespmem:s16+$0x30];
	s15 =	sadd.s32 $0x80, s15;
	[tilespmem:s10+$0xFFFFFFE0] =	vst v5  }
0xbe: {  	v5 =	vld [tilespmem:s16+$0xFFFFFFD0];
	p1 =	slt.u32 s15, $0x780;
	[tilespmem:s10+$0xFFFFFFF0] =	vst v3  }
0xbf: {  	v3 =	vld [tilespmem:s16+$0xFFFFFFE0];
	[tilespmem:s10+$0x0] =	vst v0  }
0xc0: {  	v0 =	vld [tilespmem:s16+$0xFFFFFFF0];
	[tilespmem:s10+$0x10] =	vst v1  }
0xc1: {  	v1 =	vld [tilespmem:s16+$0x0];
	[tilespmem:s10+$0x20] =	vst v2  }
0xc2: {  	v2 =	vld [tilespmem:s16+$0x10];
	[tilespmem:s10+$0xFFFFFFC0] =	vst v4  }
0xc3: {  	v4 =	vld [tilespmem:s16+$0x20]  }
0xc4: {  	v7 =	vld [tilespmem:s16+$0xFFFFFFC0]  }
0xc5: {  	v6 =	vld.idx.msk [tilespmem:v6+s23+$0x0], $0xffff  }
0xc6: {  	v8 =	vld.idx.msk [tilespmem:v5+s23+$0x0], $0xffff  }
0xc7: {  	v5 =	vld.idx.msk [tilespmem:v3+s23+$0x0], $0xffff  }
.Ltmp4:
0xc8: {  	v3 =	vld.idx.msk [tilespmem:v0+s23+$0x0], $0xffff;
	(pc) =	sbr.rel @p1 .LBB2_9-.Ltmp4, $4  }
0xc9: {  	v0 =	vld.idx.msk [tilespmem:v1+s23+$0x0], $0xffff  }
0xca: {  	s10 =	sadd.s32 $0x80, s10;
	v1 =	vld.idx.msk [tilespmem:v2+s23+$0x0], $0xffff  }
0xcb: {  	v2 =	vld.idx.msk [tilespmem:v4+s23+$0x0], $0xffff;
	[tilespmem:s10+$0x30] =	vst v6  }
0xcc: {  	s16 =	sadd.s32 $0x80, s16;
	v4 =	vld.idx.msk [tilespmem:v7+s23+$0x0], $0xffff;
	[tilespmem:s10+$0xFFFFFFD0] =	vst v8  }
0xcd: {  	[tilespmem:s10+$0xFFFFFFE0] =	vst v5  }
0xce: {  	[tilespmem:s10+$0xFFFFFFF0] =	vst v3  }
0xcf: {  	[tilespmem:s10+$0x0] =	vst v0  }
0xd0: {  	[tilespmem:s10+$0x10] =	vst v1  }
0xd1: {  	[tilespmem:s10+$0x20] =	vst v2  }
0xd2: {  	[tilespmem:s10+$0xFFFFFFC0] =	vst v4  }
0xd3: {  	[spmem:s12] =	stream.strided.scatter [tilespmem:s30], [sflag:$0x3], $0x800, s22, s21, $0x38;
	[tilespmem:$0x1F900] =	vst v63  }
0xd4: {  	_ =	swait.ge [sflag:s31], $0x800  }
0xd5: {  	[sflag:s31] =	ssyncset.done $0x0  }
0xd6: {  	[sflag:s31] =	ssyncadd.s32 $0xFFFFF800  }
0xd7: {  	_ =	swait.ge [sflag:s31], $0x800  }
0xd8: {  	[sflag:s31] =	ssyncset.done $0x0  }
0xd9: {  	[sflag:s31] =	ssyncadd.s32 $0xFFFFF800  }
.LBB2_11:
0xda: {  	[bflag:$0x0] =	sbarrier.arrive $0xFFFF;
	s10 =	sadd.s32 $0x0, s13  }
0xdb: {  	[tilespmem:s1], [sflag:$0x4] =	stream.strided.gather [spmem:s10], $0x1000, s0, s22, $0x38;
	[tilespmem:$0x1F900] =	vst v63  }
0xdc: {  	_ =	swait.ge [sflag:s5], $0x1000  }
0xdd: {  	[sflag:s5] =	ssyncset.done $0x0  }
0xde: {  	[sflag:s5] =	ssyncadd.s32 $0xFFFFF000  }
0xdf: {  	v0 =	vld [tilespmem:s3+$0x1E700]  }
0xe0: {  	v1 =	vld [tilespmem:s3+$0x1E800];
	_ =	sdelay $0x1  }
0xe1: {  	v2 =	vld [tilespmem:s3+$0x1E900];
	_ =	sdelay $0x1  }
0xe2: {  	v3 =	vld [tilespmem:s3+$0x1EA00]  }
0xe3: {  	v0 =	vadd.f32 v1, v0  }
0xe4: {  	v1 =	vld [tilespmem:s3+$0x1EB00]  }
0xe5: {  	v0 =	vadd.f32 v2, v0  }
0xe6: {  	v2 =	vld [tilespmem:s3+$0x1EC00]  }
0xe7: {  	v0 =	vadd.f32 v3, v0  }
0xe8: {  	v3 =	vld [tilespmem:s3+$0x1ED00]  }
0xe9: {  	v0 =	vadd.f32 v1, v0  }
0xea: {  	v1 =	vld [tilespmem:s3+$0x1EE00]  }
0xeb: {  	v0 =	vadd.f32 v2, v0  }
0xec: {  	v2 =	vld [tilespmem:s3+$0x1EF00]  }
0xed: {  	v0 =	vadd.f32 v3, v0  }
0xee: {  	v3 =	vld [tilespmem:s3+$0x1F000]  }
0xef: {  	v0 =	vadd.f32 v1, v0  }
0xf0: {  	v1 =	vld [tilespmem:s3+$0x1F100]  }
0xf1: {  	v0 =	vadd.f32 v2, v0  }
0xf2: {  	v2 =	vld [tilespmem:s3+$0x1F200]  }
0xf3: {  	v0 =	vadd.f32 v3, v0  }
0xf4: {  	v3 =	vld [tilespmem:s3+$0x1F300]  }
0xf5: {  	v0 =	vadd.f32 v1, v0;
	_ =	sdelay $0x1  }
0xf6: {  	v0 =	vadd.f32 v2, v0;
	_ =	sdelay $0x1  }
0xf7: {  	v0 =	vadd.f32 v3, v0  }
0xf8: {  	s10 =	simm.s32 $0x1F740  }
0xf9: {  	[tilespmem:s10+$0xFFFFFFC0] =	vst v0  }
0xfa: {  	v0 =	vld [tilespmem:s3+$0x1E710]  }
0xfb: {  	v1 =	vld [tilespmem:s3+$0x1E810];
	_ =	sdelay $0x1  }
0xfc: {  	v2 =	vld [tilespmem:s3+$0x1E910];
	_ =	sdelay $0x1  }
0xfd: {  	v3 =	vld [tilespmem:s3+$0x1EA10]  }
0xfe: {  	v0 =	vadd.f32 v1, v0  }
0xff: {  	v1 =	vld [tilespmem:s3+$0x1EB10]  }
0x100: {  	v0 =	vadd.f32 v2, v0  }
0x101: {  	v2 =	vld [tilespmem:s3+$0x1EC10]  }
0x102: {  	v0 =	vadd.f32 v3, v0  }
0x103: {  	v3 =	vld [tilespmem:s3+$0x1ED10]  }
0x104: {  	v0 =	vadd.f32 v1, v0  }
0x105: {  	v1 =	vld [tilespmem:s3+$0x1EE10]  }
0x106: {  	v0 =	vadd.f32 v2, v0  }
0x107: {  	v2 =	vld [tilespmem:s3+$0x1EF10]  }
0x108: {  	v0 =	vadd.f32 v3, v0  }
0x109: {  	v3 =	vld [tilespmem:s3+$0x1F010]  }
0x10a: {  	v0 =	vadd.f32 v1, v0  }
0x10b: {  	v1 =	vld [tilespmem:s3+$0x1F110]  }
0x10c: {  	v0 =	vadd.f32 v2, v0  }
0x10d: {  	v2 =	vld [tilespmem:s3+$0x1F210]  }
0x10e: {  	v0 =	vadd.f32 v3, v0  }
0x10f: {  	v3 =	vld [tilespmem:s3+$0x1F310]  }
0x110: {  	v0 =	vadd.f32 v1, v0;
	_ =	sdelay $0x1  }
0x111: {  	v0 =	vadd.f32 v2, v0;
	_ =	sdelay $0x1  }
0x112: {  	v0 =	vadd.f32 v3, v0;
	_ =	sdelay $0x1  }
0x113: {  	[tilespmem:s10+$0xFFFFFFD0] =	vst v0  }
0x114: {  	v0 =	vld [tilespmem:s3+$0x1E720]  }
0x115: {  	v1 =	vld [tilespmem:s3+$0x1E820];
	_ =	sdelay $0x1  }
0x116: {  	v2 =	vld [tilespmem:s3+$0x1E920];
	_ =	sdelay $0x1  }
0x117: {  	v3 =	vld [tilespmem:s3+$0x1EA20]  }
0x118: {  	v0 =	vadd.f32 v1, v0  }
0x119: {  	v1 =	vld [tilespmem:s3+$0x1EB20]  }
0x11a: {  	v0 =	vadd.f32 v2, v0  }
0x11b: {  	v2 =	vld [tilespmem:s3+$0x1EC20]  }
0x11c: {  	v0 =	vadd.f32 v3, v0  }
0x11d: {  	v3 =	vld [tilespmem:s3+$0x1ED20]  }
0x11e: {  	v0 =	vadd.f32 v1, v0  }
0x11f: {  	v1 =	vld [tilespmem:s3+$0x1EE20]  }
0x120: {  	v0 =	vadd.f32 v2, v0  }
0x121: {  	v2 =	vld [tilespmem:s3+$0x1EF20]  }
0x122: {  	v0 =	vadd.f32 v3, v0  }
0x123: {  	v3 =	vld [tilespmem:s3+$0x1F020]  }
0x124: {  	v0 =	vadd.f32 v1, v0  }
0x125: {  	v1 =	vld [tilespmem:s3+$0x1F120]  }
0x126: {  	v0 =	vadd.f32 v2, v0  }
0x127: {  	v2 =	vld [tilespmem:s3+$0x1F220]  }
0x128: {  	v0 =	vadd.f32 v3, v0  }
0x129: {  	v3 =	vld [tilespmem:s3+$0x1F320]  }
0x12a: {  	v0 =	vadd.f32 v1, v0;
	_ =	sdelay $0x1  }
0x12b: {  	v0 =	vadd.f32 v2, v0;
	_ =	sdelay $0x1  }
0x12c: {  	v0 =	vadd.f32 v3, v0;
	_ =	sdelay $0x1  }
0x12d: {  	[tilespmem:s10+$0xFFFFFFE0] =	vst v0  }
0x12e: {  	v0 =	vld [tilespmem:s3+$0x1E730]  }
0x12f: {  	v1 =	vld [tilespmem:s3+$0x1E830];
	_ =	sdelay $0x1  }
0x130: {  	v2 =	vld [tilespmem:s3+$0x1E930];
	_ =	sdelay $0x1  }
0x131: {  	v3 =	vld [tilespmem:s3+$0x1EA30]  }
0x132: {  	v0 =	vadd.f32 v1, v0  }
0x133: {  	v1 =	vld [tilespmem:s3+$0x1EB30]  }
0x134: {  	v0 =	vadd.f32 v2, v0  }
0x135: {  	v2 =	vld [tilespmem:s3+$0x1EC30]  }
0x136: {  	v0 =	vadd.f32 v3, v0  }
0x137: {  	v3 =	vld [tilespmem:s3+$0x1ED30]  }
0x138: {  	v0 =	vadd.f32 v1, v0  }
0x139: {  	v1 =	vld [tilespmem:s3+$0x1EE30]  }
0x13a: {  	v0 =	vadd.f32 v2, v0  }
0x13b: {  	v2 =	vld [tilespmem:s3+$0x1EF30]  }
0x13c: {  	v0 =	vadd.f32 v3, v0  }
0x13d: {  	v3 =	vld [tilespmem:s3+$0x1F030]  }
0x13e: {  	v0 =	vadd.f32 v1, v0  }
0x13f: {  	v1 =	vld [tilespmem:s3+$0x1F130]  }
0x140: {  	v0 =	vadd.f32 v2, v0  }
0x141: {  	v2 =	vld [tilespmem:s3+$0x1F230]  }
0x142: {  	v0 =	vadd.f32 v3, v0  }
0x143: {  	v3 =	vld [tilespmem:s3+$0x1F330]  }
0x144: {  	v0 =	vadd.f32 v1, v0;
	_ =	sdelay $0x1  }
0x145: {  	v0 =	vadd.f32 v2, v0;
	_ =	sdelay $0x1  }
0x146: {  	v0 =	vadd.f32 v3, v0;
	_ =	sdelay $0x1  }
0x147: {  	[tilespmem:s10+$0xFFFFFFF0] =	vst v0  }
0x148: {  	v0 =	vld [tilespmem:s3+$0x1E740]  }
0x149: {  	v1 =	vld [tilespmem:s3+$0x1E840];
	_ =	sdelay $0x1  }
0x14a: {  	v2 =	vld [tilespmem:s3+$0x1E940];
	_ =	sdelay $0x1  }
0x14b: {  	v3 =	vld [tilespmem:s3+$0x1EA40]  }
0x14c: {  	v0 =	vadd.f32 v1, v0  }
0x14d: {  	v1 =	vld [tilespmem:s3+$0x1EB40]  }
0x14e: {  	v0 =	vadd.f32 v2, v0  }
0x14f: {  	v2 =	vld [tilespmem:s3+$0x1EC40]  }
0x150: {  	v0 =	vadd.f32 v3, v0  }
0x151: {  	v3 =	vld [tilespmem:s3+$0x1ED40]  }
0x152: {  	v0 =	vadd.f32 v1, v0  }
0x153: {  	v1 =	vld [tilespmem:s3+$0x1EE40]  }
0x154: {  	v0 =	vadd.f32 v2, v0  }
0x155: {  	v2 =	vld [tilespmem:s3+$0x1EF40]  }
0x156: {  	v0 =	vadd.f32 v3, v0  }
0x157: {  	v3 =	vld [tilespmem:s3+$0x1F040]  }
0x158: {  	v0 =	vadd.f32 v1, v0  }
0x159: {  	v1 =	vld [tilespmem:s3+$0x1F140]  }
0x15a: {  	v0 =	vadd.f32 v2, v0  }
0x15b: {  	v2 =	vld [tilespmem:s3+$0x1F240]  }
0x15c: {  	v0 =	vadd.f32 v3, v0  }
0x15d: {  	v3 =	vld [tilespmem:s3+$0x1F340]  }
0x15e: {  	v0 =	vadd.f32 v1, v0;
	_ =	sdelay $0x1  }
0x15f: {  	v0 =	vadd.f32 v2, v0;
	_ =	sdelay $0x1  }
0x160: {  	v0 =	vadd.f32 v3, v0;
	_ =	sdelay $0x1  }
0x161: {  	[tilespmem:s10+$0x0] =	vst v0  }
0x162: {  	v0 =	vld [tilespmem:s3+$0x1E750]  }
0x163: {  	v1 =	vld [tilespmem:s3+$0x1E850];
	_ =	sdelay $0x1  }
0x164: {  	v2 =	vld [tilespmem:s3+$0x1E950];
	_ =	sdelay $0x1  }
0x165: {  	v3 =	vld [tilespmem:s3+$0x1EA50]  }
0x166: {  	v0 =	vadd.f32 v1, v0  }
0x167: {  	v1 =	vld [tilespmem:s3+$0x1EB50]  }
0x168: {  	v0 =	vadd.f32 v2, v0  }
0x169: {  	v2 =	vld [tilespmem:s3+$0x1EC50]  }
0x16a: {  	v0 =	vadd.f32 v3, v0  }
0x16b: {  	v3 =	vld [tilespmem:s3+$0x1ED50]  }
0x16c: {  	v0 =	vadd.f32 v1, v0  }
0x16d: {  	v1 =	vld [tilespmem:s3+$0x1EE50]  }
0x16e: {  	v0 =	vadd.f32 v2, v0  }
0x16f: {  	v2 =	vld [tilespmem:s3+$0x1EF50]  }
0x170: {  	v0 =	vadd.f32 v3, v0  }
0x171: {  	v3 =	vld [tilespmem:s3+$0x1F050]  }
0x172: {  	v0 =	vadd.f32 v1, v0  }
0x173: {  	v1 =	vld [tilespmem:s3+$0x1F150]  }
0x174: {  	v0 =	vadd.f32 v2, v0  }
0x175: {  	v2 =	vld [tilespmem:s3+$0x1F250]  }
0x176: {  	v0 =	vadd.f32 v3, v0  }
0x177: {  	v3 =	vld [tilespmem:s3+$0x1F350]  }
0x178: {  	v0 =	vadd.f32 v1, v0;
	_ =	sdelay $0x1  }
0x179: {  	v0 =	vadd.f32 v2, v0;
	_ =	sdelay $0x1  }
0x17a: {  	v0 =	vadd.f32 v3, v0;
	_ =	sdelay $0x1  }
0x17b: {  	[tilespmem:s10+$0x10] =	vst v0  }
0x17c: {  	v0 =	vld [tilespmem:s3+$0x1E760]  }
0x17d: {  	v1 =	vld [tilespmem:s3+$0x1E860];
	_ =	sdelay $0x1  }
0x17e: {  	v2 =	vld [tilespmem:s3+$0x1E960];
	_ =	sdelay $0x1  }
0x17f: {  	v3 =	vld [tilespmem:s3+$0x1EA60]  }
0x180: {  	v0 =	vadd.f32 v1, v0  }
0x181: {  	v1 =	vld [tilespmem:s3+$0x1EB60]  }
0x182: {  	v0 =	vadd.f32 v2, v0  }
0x183: {  	v2 =	vld [tilespmem:s3+$0x1EC60]  }
0x184: {  	v0 =	vadd.f32 v3, v0  }
0x185: {  	v3 =	vld [tilespmem:s3+$0x1ED60]  }
0x186: {  	v0 =	vadd.f32 v1, v0  }
0x187: {  	v1 =	vld [tilespmem:s3+$0x1EE60]  }
0x188: {  	v0 =	vadd.f32 v2, v0  }
0x189: {  	v2 =	vld [tilespmem:s3+$0x1EF60]  }
0x18a: {  	v0 =	vadd.f32 v3, v0  }
0x18b: {  	v3 =	vld [tilespmem:s3+$0x1F060]  }
0x18c: {  	v0 =	vadd.f32 v1, v0  }
0x18d: {  	v1 =	vld [tilespmem:s3+$0x1F160]  }
0x18e: {  	v0 =	vadd.f32 v2, v0  }
0x18f: {  	v2 =	vld [tilespmem:s3+$0x1F260]  }
0x190: {  	v0 =	vadd.f32 v3, v0  }
0x191: {  	v3 =	vld [tilespmem:s3+$0x1F360]  }
0x192: {  	v0 =	vadd.f32 v1, v0;
	_ =	sdelay $0x1  }
0x193: {  	v0 =	vadd.f32 v2, v0;
	_ =	sdelay $0x1  }
0x194: {  	v0 =	vadd.f32 v3, v0;
	_ =	sdelay $0x1  }
0x195: {  	[tilespmem:s10+$0x20] =	vst v0  }
0x196: {  	v0 =	vld [tilespmem:s3+$0x1E770]  }
0x197: {  	v1 =	vld [tilespmem:s3+$0x1E870];
	_ =	sdelay $0x1  }
0x198: {  	v2 =	vld [tilespmem:s3+$0x1E970];
	_ =	sdelay $0x1  }
0x199: {  	v3 =	vld [tilespmem:s3+$0x1EA70]  }
0x19a: {  	v0 =	vadd.f32 v1, v0  }
0x19b: {  	v1 =	vld [tilespmem:s3+$0x1EB70]  }
0x19c: {  	v0 =	vadd.f32 v2, v0  }
0x19d: {  	v2 =	vld [tilespmem:s3+$0x1EC70]  }
0x19e: {  	v0 =	vadd.f32 v3, v0  }
0x19f: {  	v3 =	vld [tilespmem:s3+$0x1ED70]  }
0x1a0: {  	v0 =	vadd.f32 v1, v0  }
0x1a1: {  	v4 =	vld [tilespmem:s3+$0x1EE70]  }
0x1a2: {  	v0 =	vadd.f32 v2, v0  }
0x1a3: {  	v5 =	vld [tilespmem:s3+$0x1EF70]  }
0x1a4: {  	v2 =	vadd.f32 v3, v0  }
0x1a5: {  	v1 =	vld [tilespmem:s3+$0x1F170]  }
0x1a6: {  	v0 =	vld [tilespmem:s3+$0x1F070];
	v4 =	vadd.f32 v4, v2  }
0x1a7: {  	v3 =	vld [tilespmem:s3+$0x1F370]  }
0x1a8: {  	s16 =	simm.s32 $0x1000;
	s15 =	simm.s32 $0x1F740;
	v2 =	vld [tilespmem:s3+$0x1F270];
	v4 =	vadd.f32 v5, v4  }
.LBB2_12:
0x1a9: {  	p1 =	sne.s32 s16, $0x3000  }
0x1aa: {  	s10 =	sadd.s32 $0x80, s10;
	s17 =	smov.u32 s16;
	s16 =	sadd.s32 $0x1000, s16  }
0x1ab: {  	v0 =	vadd.f32 v0, v4;
	_ =	sdelay $0x1  }
0x1ac: {  	v0 =	vadd.f32 v1, v0;
	_ =	sdelay $0x1  }
0x1ad: {  	v0 =	vadd.f32 v2, v0;
	_ =	sdelay $0x1  }
0x1ae: {  	s17 =	sshra.s32 s17, $0x2;
	v0 =	vadd.f32 v3, v0  }
0x1af: {  	s17 =	sadd.s32 s17, s13  }
0x1b0: {  	[tilespmem:s15+$0x30] =	vst v0;
	s15 =	smov.u32 s10  }
0x1b1: {  	[tilespmem:s1], [sflag:$0x4] =	stream.strided.gather [spmem:s17], $0x1000, s0, s22, $0x38;
	[tilespmem:$0x1F900] =	vst v63  }
0x1b2: {  	_ =	swait.ge [sflag:s5], $0x1000  }
0x1b3: {  	[sflag:s5] =	ssyncset.done $0x0  }
0x1b4: {  	[sflag:s5] =	ssyncadd.s32 $0xFFFFF000  }
0x1b5: {  	v0 =	vld [tilespmem:s3+$0x1E700]  }
0x1b6: {  	v1 =	vld [tilespmem:s3+$0x1E800]  }
0x1b7: {  	v2 =	vld [tilespmem:s3+$0x1EA00]  }
0x1b8: {  	v3 =	vld [tilespmem:s3+$0x1E900];
	_ =	sdelay $0x2  }
0x1b9: {  	v0 =	vadd.f32 v1, v0  }
0x1ba: {  	v1 =	vld [tilespmem:s3+$0x1EB00]  }
0x1bb: {  	v0 =	vadd.f32 v3, v0  }
0x1bc: {  	v3 =	vld [tilespmem:s3+$0x1EC00]  }
0x1bd: {  	v0 =	vadd.f32 v2, v0  }
0x1be: {  	v2 =	vld [tilespmem:s3+$0x1ED00]  }
0x1bf: {  	v0 =	vadd.f32 v1, v0  }
0x1c0: {  	v1 =	vld [tilespmem:s3+$0x1EE00]  }
0x1c1: {  	v0 =	vadd.f32 v3, v0  }
0x1c2: {  	v3 =	vld [tilespmem:s3+$0x1EF00]  }
0x1c3: {  	v0 =	vadd.f32 v2, v0  }
0x1c4: {  	v2 =	vld [tilespmem:s3+$0x1F000]  }
0x1c5: {  	v0 =	vadd.f32 v1, v0  }
0x1c6: {  	v1 =	vld [tilespmem:s3+$0x1F100]  }
0x1c7: {  	v0 =	vadd.f32 v3, v0  }
0x1c8: {  	v3 =	vld [tilespmem:s3+$0x1F200]  }
0x1c9: {  	v0 =	vadd.f32 v2, v0  }
0x1ca: {  	v2 =	vld [tilespmem:s3+$0x1F300]  }
0x1cb: {  	v0 =	vadd.f32 v1, v0;
	_ =	sdelay $0x1  }
0x1cc: {  	v0 =	vadd.f32 v3, v0;
	_ =	sdelay $0x1  }
0x1cd: {  	v0 =	vadd.f32 v2, v0;
	_ =	sdelay $0x1  }
0x1ce: {  	[tilespmem:s10+$0xFFFFFFC0] =	vst v0  }
0x1cf: {  	v0 =	vld [tilespmem:s3+$0x1E710]  }
0x1d0: {  	v1 =	vld [tilespmem:s3+$0x1E810];
	_ =	sdelay $0x1  }
0x1d1: {  	v2 =	vld [tilespmem:s3+$0x1E910];
	_ =	sdelay $0x1  }
0x1d2: {  	v3 =	vld [tilespmem:s3+$0x1EA10]  }
0x1d3: {  	v0 =	vadd.f32 v1, v0  }
0x1d4: {  	v1 =	vld [tilespmem:s3+$0x1EB10]  }
0x1d5: {  	v0 =	vadd.f32 v2, v0  }
0x1d6: {  	v2 =	vld [tilespmem:s3+$0x1EC10]  }
0x1d7: {  	v0 =	vadd.f32 v3, v0  }
0x1d8: {  	v3 =	vld [tilespmem:s3+$0x1ED10]  }
0x1d9: {  	v0 =	vadd.f32 v1, v0  }
0x1da: {  	v1 =	vld [tilespmem:s3+$0x1EE10]  }
0x1db: {  	v0 =	vadd.f32 v2, v0  }
0x1dc: {  	v2 =	vld [tilespmem:s3+$0x1EF10]  }
0x1dd: {  	v0 =	vadd.f32 v3, v0  }
0x1de: {  	v3 =	vld [tilespmem:s3+$0x1F010]  }
0x1df: {  	v0 =	vadd.f32 v1, v0  }
0x1e0: {  	v1 =	vld [tilespmem:s3+$0x1F110]  }
0x1e1: {  	v0 =	vadd.f32 v2, v0  }
0x1e2: {  	v2 =	vld [tilespmem:s3+$0x1F210]  }
0x1e3: {  	v0 =	vadd.f32 v3, v0  }
0x1e4: {  	v3 =	vld [tilespmem:s3+$0x1F310]  }
0x1e5: {  	v0 =	vadd.f32 v1, v0;
	_ =	sdelay $0x1  }
0x1e6: {  	v0 =	vadd.f32 v2, v0;
	_ =	sdelay $0x1  }
0x1e7: {  	v0 =	vadd.f32 v3, v0;
	_ =	sdelay $0x1  }
0x1e8: {  	[tilespmem:s10+$0xFFFFFFD0] =	vst v0  }
0x1e9: {  	v0 =	vld [tilespmem:s3+$0x1E720]  }
0x1ea: {  	v1 =	vld [tilespmem:s3+$0x1E820]  }
0x1eb: {  	v2 =	vld [tilespmem:s3+$0x1E920];
	_ =	sdelay $0x2  }
0x1ec: {  	v3 =	vld [tilespmem:s3+$0x1EA20]  }
0x1ed: {  	v0 =	vadd.f32 v1, v0  }
0x1ee: {  	v1 =	vld [tilespmem:s3+$0x1EB20]  }
0x1ef: {  	v0 =	vadd.f32 v2, v0  }
0x1f0: {  	v2 =	vld [tilespmem:s3+$0x1EC20]  }
0x1f1: {  	v0 =	vadd.f32 v3, v0  }
0x1f2: {  	v3 =	vld [tilespmem:s3+$0x1ED20]  }
0x1f3: {  	v0 =	vadd.f32 v1, v0  }
0x1f4: {  	v1 =	vld [tilespmem:s3+$0x1EE20]  }
0x1f5: {  	v0 =	vadd.f32 v2, v0  }
0x1f6: {  	v2 =	vld [tilespmem:s3+$0x1EF20]  }
0x1f7: {  	v0 =	vadd.f32 v3, v0  }
0x1f8: {  	v3 =	vld [tilespmem:s3+$0x1F020]  }
0x1f9: {  	v0 =	vadd.f32 v1, v0  }
0x1fa: {  	v1 =	vld [tilespmem:s3+$0x1F120]  }
0x1fb: {  	v0 =	vadd.f32 v2, v0  }
0x1fc: {  	v2 =	vld [tilespmem:s3+$0x1F220]  }
0x1fd: {  	v0 =	vadd.f32 v3, v0  }
0x1fe: {  	v3 =	vld [tilespmem:s3+$0x1F320]  }
0x1ff: {  	v0 =	vadd.f32 v1, v0;
	_ =	sdelay $0x1  }
0x200: {  	v0 =	vadd.f32 v2, v0;
	_ =	sdelay $0x1  }
0x201: {  	v0 =	vadd.f32 v3, v0;
	_ =	sdelay $0x1  }
0x202: {  	[tilespmem:s10+$0xFFFFFFE0] =	vst v0  }
0x203: {  	v0 =	vld [tilespmem:s3+$0x1E730]  }
0x204: {  	v1 =	vld [tilespmem:s3+$0x1E830]  }
0x205: {  	v2 =	vld [tilespmem:s3+$0x1E930];
	_ =	sdelay $0x2  }
0x206: {  	v3 =	vld [tilespmem:s3+$0x1EA30]  }
0x207: {  	v0 =	vadd.f32 v1, v0  }
0x208: {  	v1 =	vld [tilespmem:s3+$0x1EB30]  }
0x209: {  	v0 =	vadd.f32 v2, v0  }
0x20a: {  	v2 =	vld [tilespmem:s3+$0x1EC30]  }
0x20b: {  	v0 =	vadd.f32 v3, v0  }
0x20c: {  	v3 =	vld [tilespmem:s3+$0x1ED30]  }
0x20d: {  	v0 =	vadd.f32 v1, v0  }
0x20e: {  	v1 =	vld [tilespmem:s3+$0x1EE30]  }
0x20f: {  	v0 =	vadd.f32 v2, v0  }
0x210: {  	v2 =	vld [tilespmem:s3+$0x1EF30]  }
0x211: {  	v0 =	vadd.f32 v3, v0  }
0x212: {  	v3 =	vld [tilespmem:s3+$0x1F030]  }
0x213: {  	v0 =	vadd.f32 v1, v0  }
0x214: {  	v1 =	vld [tilespmem:s3+$0x1F130]  }
0x215: {  	v0 =	vadd.f32 v2, v0  }
0x216: {  	v2 =	vld [tilespmem:s3+$0x1F230]  }
0x217: {  	v0 =	vadd.f32 v3, v0  }
0x218: {  	v3 =	vld [tilespmem:s3+$0x1F330]  }
0x219: {  	v0 =	vadd.f32 v1, v0;
	_ =	sdelay $0x1  }
0x21a: {  	v0 =	vadd.f32 v2, v0;
	_ =	sdelay $0x1  }
0x21b: {  	v0 =	vadd.f32 v3, v0;
	_ =	sdelay $0x1  }
0x21c: {  	[tilespmem:s10+$0xFFFFFFF0] =	vst v0  }
0x21d: {  	v0 =	vld [tilespmem:s3+$0x1E740]  }
0x21e: {  	v1 =	vld [tilespmem:s3+$0x1E840]  }
0x21f: {  	v2 =	vld [tilespmem:s3+$0x1E940]  }
0x220: {  	v3 =	vld [tilespmem:s3+$0x1EA40]  }
0x221: {  	v4 =	vld [tilespmem:s3+$0x1EB40]  }
0x222: {  	v5 =	vld [tilespmem:s3+$0x1EC40]  }
0x223: {  	v0 =	vadd.f32 v1, v0;
	v1 =	vld [tilespmem:s3+$0x1ED40]  }
0x224: {  	v6 =	vld [tilespmem:s3+$0x1EE40]  }
0x225: {  	v0 =	vadd.f32 v2, v0;
	v2 =	vld [tilespmem:s3+$0x1EF40]  }
0x226: {  	v7 =	vld [tilespmem:s3+$0x1F040]  }
0x227: {  	v0 =	vadd.f32 v3, v0;
	v3 =	vld [tilespmem:s3+$0x1F140]  }
0x228: {  	v8 =	vld [tilespmem:s3+$0x1F240]  }
0x229: {  	v0 =	vadd.f32 v4, v0;
	v4 =	vld [tilespmem:s3+$0x1F340];
	_ =	sdelay $0x1  }
0x22a: {  	v0 =	vadd.f32 v5, v0;
	_ =	sdelay $0x1  }
0x22b: {  	v0 =	vadd.f32 v1, v0;
	_ =	sdelay $0x1  }
0x22c: {  	v0 =	vadd.f32 v6, v0;
	_ =	sdelay $0x1  }
0x22d: {  	v0 =	vadd.f32 v2, v0;
	_ =	sdelay $0x1  }
0x22e: {  	v0 =	vadd.f32 v7, v0;
	_ =	sdelay $0x1  }
0x22f: {  	v0 =	vadd.f32 v3, v0;
	_ =	sdelay $0x1  }
0x230: {  	v0 =	vadd.f32 v8, v0;
	_ =	sdelay $0x1  }
0x231: {  	v0 =	vadd.f32 v4, v0;
	_ =	sdelay $0x1  }
0x232: {  	[tilespmem:s10+$0x0] =	vst v0  }
0x233: {  	v0 =	vld [tilespmem:s3+$0x1E750]  }
0x234: {  	v1 =	vld [tilespmem:s3+$0x1E850]  }
0x235: {  	v2 =	vld [tilespmem:s3+$0x1E950]  }
0x236: {  	v3 =	vld [tilespmem:s3+$0x1EA50]  }
0x237: {  	v4 =	vld [tilespmem:s3+$0x1EB50]  }
0x238: {  	v5 =	vld [tilespmem:s3+$0x1EC50]  }
0x239: {  	v0 =	vadd.f32 v1, v0;
	v1 =	vld [tilespmem:s3+$0x1ED50]  }
0x23a: {  	v6 =	vld [tilespmem:s3+$0x1EE50]  }
0x23b: {  	v0 =	vadd.f32 v2, v0;
	v2 =	vld [tilespmem:s3+$0x1EF50]  }
0x23c: {  	v7 =	vld [tilespmem:s3+$0x1F050]  }
0x23d: {  	v0 =	vadd.f32 v3, v0;
	v3 =	vld [tilespmem:s3+$0x1F150]  }
0x23e: {  	v8 =	vld [tilespmem:s3+$0x1F250]  }
0x23f: {  	v0 =	vadd.f32 v4, v0;
	v4 =	vld [tilespmem:s3+$0x1F350];
	_ =	sdelay $0x1  }
0x240: {  	v0 =	vadd.f32 v5, v0;
	_ =	sdelay $0x1  }
0x241: {  	v0 =	vadd.f32 v1, v0;
	_ =	sdelay $0x1  }
0x242: {  	v0 =	vadd.f32 v6, v0;
	_ =	sdelay $0x1  }
0x243: {  	v0 =	vadd.f32 v2, v0;
	_ =	sdelay $0x1  }
0x244: {  	v0 =	vadd.f32 v7, v0;
	_ =	sdelay $0x1  }
0x245: {  	v0 =	vadd.f32 v3, v0;
	_ =	sdelay $0x1  }
0x246: {  	v0 =	vadd.f32 v8, v0;
	_ =	sdelay $0x1  }
0x247: {  	v0 =	vadd.f32 v4, v0;
	_ =	sdelay $0x1  }
0x248: {  	[tilespmem:s10+$0x10] =	vst v0  }
0x249: {  	v0 =	vld [tilespmem:s3+$0x1E760]  }
0x24a: {  	v1 =	vld [tilespmem:s3+$0x1E860]  }
0x24b: {  	v2 =	vld [tilespmem:s3+$0x1E960]  }
0x24c: {  	v3 =	vld [tilespmem:s3+$0x1EA60]  }
0x24d: {  	v4 =	vld [tilespmem:s3+$0x1EB60]  }
0x24e: {  	v5 =	vld [tilespmem:s3+$0x1EC60]  }
0x24f: {  	v0 =	vadd.f32 v1, v0;
	v1 =	vld [tilespmem:s3+$0x1ED60]  }
0x250: {  	v6 =	vld [tilespmem:s3+$0x1EE60]  }
0x251: {  	v0 =	vadd.f32 v2, v0;
	v2 =	vld [tilespmem:s3+$0x1EF60]  }
0x252: {  	v7 =	vld [tilespmem:s3+$0x1F060]  }
0x253: {  	v0 =	vadd.f32 v3, v0;
	v3 =	vld [tilespmem:s3+$0x1F160]  }
0x254: {  	v8 =	vld [tilespmem:s3+$0x1F260]  }
0x255: {  	v0 =	vadd.f32 v4, v0;
	v4 =	vld [tilespmem:s3+$0x1F360];
	_ =	sdelay $0x1  }
0x256: {  	v0 =	vadd.f32 v5, v0;
	_ =	sdelay $0x1  }
0x257: {  	v0 =	vadd.f32 v1, v0;
	_ =	sdelay $0x1  }
0x258: {  	v0 =	vadd.f32 v6, v0;
	_ =	sdelay $0x1  }
0x259: {  	v0 =	vadd.f32 v2, v0;
	_ =	sdelay $0x1  }
0x25a: {  	v0 =	vadd.f32 v7, v0;
	_ =	sdelay $0x1  }
0x25b: {  	v0 =	vadd.f32 v3, v0;
	_ =	sdelay $0x1  }
0x25c: {  	v0 =	vadd.f32 v8, v0;
	_ =	sdelay $0x1  }
0x25d: {  	v0 =	vadd.f32 v4, v0;
	_ =	sdelay $0x1  }
0x25e: {  	[tilespmem:s10+$0x20] =	vst v0  }
0x25f: {  	v0 =	vld [tilespmem:s3+$0x1E770]  }
0x260: {  	v1 =	vld [tilespmem:s3+$0x1E870]  }
0x261: {  	v2 =	vld [tilespmem:s3+$0x1E970]  }
0x262: {  	v3 =	vld [tilespmem:s3+$0x1EA70]  }
0x263: {  	v4 =	vld [tilespmem:s3+$0x1EB70]  }
0x264: {  	v5 =	vld [tilespmem:s3+$0x1EC70]  }
0x265: {  	v0 =	vadd.f32 v1, v0;
	v6 =	vld [tilespmem:s3+$0x1ED70]  }
0x266: {  	v7 =	vld [tilespmem:s3+$0x1EE70]  }
0x267: {  	v1 =	vadd.f32 v2, v0;
	v8 =	vld [tilespmem:s3+$0x1EF70]  }
0x268: {  	v0 =	vld [tilespmem:s3+$0x1F070]  }
0x269: {  	v3 =	vadd.f32 v3, v1;
	v1 =	vld [tilespmem:s3+$0x1F170]  }
0x26a: {  	v2 =	vld [tilespmem:s3+$0x1F270]  }
0x26b: {  	v4 =	vadd.f32 v4, v3;
	v3 =	vld [tilespmem:s3+$0x1F370];
	_ =	sdelay $0x1  }
0x26c: {  	v4 =	vadd.f32 v5, v4;
	_ =	sdelay $0x1  }
.Ltmp5:
0x26d: {  	v4 =	vadd.f32 v6, v4;
	(pc) =	sbr.rel @p1 .LBB2_12-.Ltmp5, $3  }
0x26e: {  	_ = 	snop  }
0x26f: {  	v4 =	vadd.f32 v7, v4;
	_ =	sdelay $0x1  }
0x270: {  	v4 =	vadd.f32 v8, v4  }
0x271: {  	_ = 	snop  }
0x272: {  	v0 =	vadd.f32 v0, v4;
	_ =	sdelay $0x1  }
0x273: {  	v0 =	vadd.f32 v1, v0;
	_ =	sdelay $0x1  }
0x274: {  	v0 =	vadd.f32 v2, v0;
	_ =	sdelay $0x1  }
0x275: {  	v0 =	vadd.f32 v3, v0;
	_ =	sdelay $0x1  }
0x276: {  	[tilespmem:s15+$0x30] =	vst v0  }
0x277: {  	[hbm4b:s14+s21] =	stream.strided.scatter [tilespmem:s8], [sflag:$0x4], $0x200, s6, s21, $0x38;
	[tilespmem:$0x1F900] =	vst v63  }
.Ltmp6:
0x278: {  	_ =	swait.ge [sflag:s5], $0x200;
	(pc) =	sbr.rel @p0 .LBB2_23-.Ltmp6, $3  }
0x279: {  	[sflag:s5] =	ssyncset.done $0x0  }
0x27a: {  	[sflag:s5] =	ssyncadd.s32 $0xFFFFFE00  }
0x27b: {  	[bflag:$0x0] =	sbarrier.arrive $0xFFFF;
	_ =	sdelay $0x1  }
0x27c: {  	s10 =	rddreg [dreg:$0x8]  }
0x27d: {  	[tilespmem:s24], [sflag:$0x2] =	stream.strided.gather [hbm4b:s10+s21], $0x800, s22, s21, $0x38;
	[tilespmem:$0x1F900] =	vst v63  }
0x27e: {  	_ =	swait.ge [sflag:s26], $0x800  }
0x27f: {  	[sflag:s26] =	ssyncset.done $0x0  }
0x280: {  	s17 =	simm.s32 $0x1C740;
	s16 =	rddreg [dreg:$0x9];
	[sflag:s26] =	ssyncadd.s32 $0xFFFFF800  }
0x281: {  	[tilespmem:s28], [sflag:$0x2] =	stream.strided.gather [hbm4b:s16+s21], $0x800, s22, s21, $0x38;
	[tilespmem:$0x1F900] =	vst v63  }
0x282: {  	v0 =	vld [tilespmem:s17+$0x30]  }
0x283: {  	v1 =	vld [tilespmem:s17+$0xFFFFFFD0]  }
0x284: {  	v2 =	vld [tilespmem:s17+$0xFFFFFFE0]  }
0x285: {  	v3 =	vld [tilespmem:s17+$0xFFFFFFF0]  }
0x286: {  	v4 =	vld [tilespmem:s17+$0x0]  }
0x287: {  	v6 =	vld [tilespmem:s17+$0x10]  }
0x288: {  	v7 =	vld [tilespmem:s17+$0x20]  }
0x289: {  	v8 =	vld [tilespmem:s17+$0xFFFFFFC0]  }
0x28a: {  	v9 =	vld.idx.msk [tilespmem:v0+s23+$0x0], $0xffff  }
0x28b: {  	v10 =	vld.idx.msk [tilespmem:v1+s23+$0x0], $0xffff  }
0x28c: {  	v5 =	vld.idx.msk [tilespmem:v2+s23+$0x0], $0xffff  }
0x28d: {  	v3 =	vld.idx.msk [tilespmem:v3+s23+$0x0], $0xffff  }
0x28e: {  	v0 =	vld.idx.msk [tilespmem:v4+s23+$0x0], $0xffff  }
0x28f: {  	s10 =	simm.s32 $0x1D740;
	v1 =	vld.idx.msk [tilespmem:v6+s23+$0x0], $0xffff  }
0x290: {  	v2 =	vld.idx.msk [tilespmem:v7+s23+$0x0], $0xffff;
	[tilespmem:s10+$0x30] =	vst v9  }
0x291: {  	s15 =	simm.s32 $0x0;
	s16 =	simm.s32 $0x1C7C0;
	v4 =	vld.idx.msk [tilespmem:v8+s23+$0x0], $0xffff;
	[tilespmem:s10+$0xFFFFFFD0] =	vst v10  }
.LBB2_15:
0x292: {  	v6 =	vld [tilespmem:s16+$0x30];
	s15 =	sadd.s32 $0x80, s15;
	[tilespmem:s10+$0xFFFFFFE0] =	vst v5  }
0x293: {  	v5 =	vld [tilespmem:s16+$0xFFFFFFD0];
	p1 =	slt.u32 s15, $0x780;
	[tilespmem:s10+$0xFFFFFFF0] =	vst v3  }
0x294: {  	v3 =	vld [tilespmem:s16+$0xFFFFFFE0];
	[tilespmem:s10+$0x0] =	vst v0  }
0x295: {  	v0 =	vld [tilespmem:s16+$0xFFFFFFF0];
	[tilespmem:s10+$0x10] =	vst v1  }
0x296: {  	v1 =	vld [tilespmem:s16+$0x0];
	[tilespmem:s10+$0x20] =	vst v2  }
0x297: {  	v2 =	vld [tilespmem:s16+$0x10];
	[tilespmem:s10+$0xFFFFFFC0] =	vst v4  }
0x298: {  	v4 =	vld [tilespmem:s16+$0x20]  }
0x299: {  	v7 =	vld [tilespmem:s16+$0xFFFFFFC0]  }
0x29a: {  	v6 =	vld.idx.msk [tilespmem:v6+s23+$0x0], $0xffff  }
0x29b: {  	v8 =	vld.idx.msk [tilespmem:v5+s23+$0x0], $0xffff  }
0x29c: {  	v5 =	vld.idx.msk [tilespmem:v3+s23+$0x0], $0xffff  }
.Ltmp7:
0x29d: {  	v3 =	vld.idx.msk [tilespmem:v0+s23+$0x0], $0xffff;
	(pc) =	sbr.rel @p1 .LBB2_15-.Ltmp7, $4  }
0x29e: {  	v0 =	vld.idx.msk [tilespmem:v1+s23+$0x0], $0xffff  }
0x29f: {  	s10 =	sadd.s32 $0x80, s10;
	v1 =	vld.idx.msk [tilespmem:v2+s23+$0x0], $0xffff  }
0x2a0: {  	v2 =	vld.idx.msk [tilespmem:v4+s23+$0x0], $0xffff;
	[tilespmem:s10+$0x30] =	vst v6  }
0x2a1: {  	s16 =	sadd.s32 $0x80, s16;
	v4 =	vld.idx.msk [tilespmem:v7+s23+$0x0], $0xffff;
	[tilespmem:s10+$0xFFFFFFD0] =	vst v8  }
0x2a2: {  	[tilespmem:s10+$0xFFFFFFE0] =	vst v5  }
0x2a3: {  	[tilespmem:s10+$0xFFFFFFF0] =	vst v3  }
0x2a4: {  	[tilespmem:s10+$0x0] =	vst v0  }
0x2a5: {  	[tilespmem:s10+$0x10] =	vst v1  }
0x2a6: {  	[tilespmem:s10+$0x20] =	vst v2  }
0x2a7: {  	[tilespmem:s10+$0xFFFFFFC0] =	vst v4  }
0x2a8: {  	[spmem:s7] =	stream.strided.scatter [tilespmem:s29], [sflag:$0x3], $0x800, s22, s21, $0x38;
	[tilespmem:$0x1F900] =	vst v63  }
0x2a9: {  	_ =	swait.ge [sflag:s26], $0x800  }
0x2aa: {  	[sflag:s26] =	ssyncset.done $0x0  }
0x2ab: {  	s17 =	simm.s32 $0x1CF40;
	s16 =	rddreg [dreg:$0xa];
	[sflag:s26] =	ssyncadd.s32 $0xFFFFF800  }
0x2ac: {  	[tilespmem:s24], [sflag:$0x2] =	stream.strided.gather [hbm4b:s16+s21], $0x800, s22, s21, $0x38;
	[tilespmem:$0x1F900] =	vst v63  }
0x2ad: {  	v0 =	vld [tilespmem:s17+$0x30]  }
0x2ae: {  	v1 =	vld [tilespmem:s17+$0xFFFFFFD0]  }
0x2af: {  	v2 =	vld [tilespmem:s17+$0xFFFFFFE0]  }
0x2b0: {  	v3 =	vld [tilespmem:s17+$0xFFFFFFF0]  }
0x2b1: {  	v4 =	vld [tilespmem:s17+$0x0]  }
0x2b2: {  	v6 =	vld [tilespmem:s17+$0x10]  }
0x2b3: {  	v7 =	vld [tilespmem:s17+$0x20]  }
0x2b4: {  	v8 =	vld [tilespmem:s17+$0xFFFFFFC0]  }
0x2b5: {  	v9 =	vld.idx.msk [tilespmem:v0+s23+$0x0], $0xffff  }
0x2b6: {  	v10 =	vld.idx.msk [tilespmem:v1+s23+$0x0], $0xffff  }
0x2b7: {  	v5 =	vld.idx.msk [tilespmem:v2+s23+$0x0], $0xffff  }
0x2b8: {  	v3 =	vld.idx.msk [tilespmem:v3+s23+$0x0], $0xffff  }
0x2b9: {  	v0 =	vld.idx.msk [tilespmem:v4+s23+$0x0], $0xffff  }
0x2ba: {  	s10 =	simm.s32 $0x1DF40;
	v1 =	vld.idx.msk [tilespmem:v6+s23+$0x0], $0xffff  }
0x2bb: {  	v2 =	vld.idx.msk [tilespmem:v7+s23+$0x0], $0xffff;
	[tilespmem:s10+$0x30] =	vst v9  }
0x2bc: {  	s15 =	simm.s32 $0x0;
	s16 =	simm.s32 $0x1CFC0;
	v4 =	vld.idx.msk [tilespmem:v8+s23+$0x0], $0xffff;
	[tilespmem:s10+$0xFFFFFFD0] =	vst v10  }
.LBB2_17:
0x2bd: {  	v6 =	vld [tilespmem:s16+$0x30];
	s15 =	sadd.s32 $0x80, s15;
	[tilespmem:s10+$0xFFFFFFE0] =	vst v5  }
0x2be: {  	v5 =	vld [tilespmem:s16+$0xFFFFFFD0];
	p1 =	slt.u32 s15, $0x780;
	[tilespmem:s10+$0xFFFFFFF0] =	vst v3  }
0x2bf: {  	v3 =	vld [tilespmem:s16+$0xFFFFFFE0];
	[tilespmem:s10+$0x0] =	vst v0  }
0x2c0: {  	v0 =	vld [tilespmem:s16+$0xFFFFFFF0];
	[tilespmem:s10+$0x10] =	vst v1  }
0x2c1: {  	v1 =	vld [tilespmem:s16+$0x0];
	[tilespmem:s10+$0x20] =	vst v2  }
0x2c2: {  	v2 =	vld [tilespmem:s16+$0x10];
	[tilespmem:s10+$0xFFFFFFC0] =	vst v4  }
0x2c3: {  	v4 =	vld [tilespmem:s16+$0x20]  }
0x2c4: {  	v7 =	vld [tilespmem:s16+$0xFFFFFFC0]  }
0x2c5: {  	v6 =	vld.idx.msk [tilespmem:v6+s23+$0x0], $0xffff  }
0x2c6: {  	v8 =	vld.idx.msk [tilespmem:v5+s23+$0x0], $0xffff  }
0x2c7: {  	v5 =	vld.idx.msk [tilespmem:v3+s23+$0x0], $0xffff  }
.Ltmp8:
0x2c8: {  	v3 =	vld.idx.msk [tilespmem:v0+s23+$0x0], $0xffff;
	(pc) =	sbr.rel @p1 .LBB2_17-.Ltmp8, $4  }
0x2c9: {  	v0 =	vld.idx.msk [tilespmem:v1+s23+$0x0], $0xffff  }
0x2ca: {  	s10 =	sadd.s32 $0x80, s10;
	v1 =	vld.idx.msk [tilespmem:v2+s23+$0x0], $0xffff  }
0x2cb: {  	v2 =	vld.idx.msk [tilespmem:v4+s23+$0x0], $0xffff;
	[tilespmem:s10+$0x30] =	vst v6  }
0x2cc: {  	s16 =	sadd.s32 $0x80, s16;
	v4 =	vld.idx.msk [tilespmem:v7+s23+$0x0], $0xffff;
	[tilespmem:s10+$0xFFFFFFD0] =	vst v8  }
0x2cd: {  	[tilespmem:s10+$0xFFFFFFE0] =	vst v5  }
0x2ce: {  	[tilespmem:s10+$0xFFFFFFF0] =	vst v3  }
0x2cf: {  	[tilespmem:s10+$0x0] =	vst v0  }
0x2d0: {  	[tilespmem:s10+$0x10] =	vst v1  }
0x2d1: {  	[tilespmem:s10+$0x20] =	vst v2  }
0x2d2: {  	[tilespmem:s10+$0xFFFFFFC0] =	vst v4  }
0x2d3: {  	[spmem:s9] =	stream.strided.scatter [tilespmem:s30], [sflag:$0x3], $0x800, s22, s21, $0x38;
	[tilespmem:$0x1F900] =	vst v63  }
0x2d4: {  	_ =	swait.ge [sflag:s26], $0x800  }
0x2d5: {  	[sflag:s26] =	ssyncset.done $0x0  }
0x2d6: {  	[sflag:s26] =	ssyncadd.s32 $0xFFFFF800  }
0x2d7: {  	_ =	swait.ge [sflag:s31], $0x800  }
0x2d8: {  	[sflag:s31] =	ssyncset.done $0x0  }
0x2d9: {  	s17 =	simm.s32 $0x1C740;
	[sflag:s31] =	ssyncadd.s32 $0xFFFFF800  }
0x2da: {  	[tilespmem:s28], [sflag:$0x2] =	stream.strided.gather [hbm4b:s18+s21], $0x800, s22, s21, $0x38;
	[tilespmem:$0x1F900] =	vst v63  }
0x2db: {  	v0 =	vld [tilespmem:s17+$0x30]  }
0x2dc: {  	v1 =	vld [tilespmem:s17+$0xFFFFFFD0]  }
0x2dd: {  	v2 =	vld [tilespmem:s17+$0xFFFFFFE0]  }
0x2de: {  	v3 =	vld [tilespmem:s17+$0xFFFFFFF0]  }
0x2df: {  	v4 =	vld [tilespmem:s17+$0x0]  }
0x2e0: {  	v6 =	vld [tilespmem:s17+$0x10]  }
0x2e1: {  	v7 =	vld [tilespmem:s17+$0x20]  }
0x2e2: {  	v8 =	vld [tilespmem:s17+$0xFFFFFFC0]  }
0x2e3: {  	v9 =	vld.idx.msk [tilespmem:v0+s23+$0x0], $0xffff  }
0x2e4: {  	v10 =	vld.idx.msk [tilespmem:v1+s23+$0x0], $0xffff  }
0x2e5: {  	v5 =	vld.idx.msk [tilespmem:v2+s23+$0x0], $0xffff  }
0x2e6: {  	v3 =	vld.idx.msk [tilespmem:v3+s23+$0x0], $0xffff  }
0x2e7: {  	v0 =	vld.idx.msk [tilespmem:v4+s23+$0x0], $0xffff  }
0x2e8: {  	s10 =	simm.s32 $0x1D740;
	v1 =	vld.idx.msk [tilespmem:v6+s23+$0x0], $0xffff  }
0x2e9: {  	v2 =	vld.idx.msk [tilespmem:v7+s23+$0x0], $0xffff;
	[tilespmem:s10+$0x30] =	vst v9  }
0x2ea: {  	s15 =	simm.s32 $0x0;
	s16 =	simm.s32 $0x1C7C0;
	v4 =	vld.idx.msk [tilespmem:v8+s23+$0x0], $0xffff;
	[tilespmem:s10+$0xFFFFFFD0] =	vst v10  }
.LBB2_19:
0x2eb: {  	v6 =	vld [tilespmem:s16+$0x30];
	s15 =	sadd.s32 $0x80, s15;
	[tilespmem:s10+$0xFFFFFFE0] =	vst v5  }
0x2ec: {  	v5 =	vld [tilespmem:s16+$0xFFFFFFD0];
	p1 =	slt.u32 s15, $0x780;
	[tilespmem:s10+$0xFFFFFFF0] =	vst v3  }
0x2ed: {  	v3 =	vld [tilespmem:s16+$0xFFFFFFE0];
	[tilespmem:s10+$0x0] =	vst v0  }
0x2ee: {  	v0 =	vld [tilespmem:s16+$0xFFFFFFF0];
	[tilespmem:s10+$0x10] =	vst v1  }
0x2ef: {  	v1 =	vld [tilespmem:s16+$0x0];
	[tilespmem:s10+$0x20] =	vst v2  }
0x2f0: {  	v2 =	vld [tilespmem:s16+$0x10];
	[tilespmem:s10+$0xFFFFFFC0] =	vst v4  }
0x2f1: {  	v4 =	vld [tilespmem:s16+$0x20]  }
0x2f2: {  	v7 =	vld [tilespmem:s16+$0xFFFFFFC0]  }
0x2f3: {  	v6 =	vld.idx.msk [tilespmem:v6+s23+$0x0], $0xffff  }
0x2f4: {  	v8 =	vld.idx.msk [tilespmem:v5+s23+$0x0], $0xffff  }
0x2f5: {  	v5 =	vld.idx.msk [tilespmem:v3+s23+$0x0], $0xffff  }
.Ltmp9:
0x2f6: {  	v3 =	vld.idx.msk [tilespmem:v0+s23+$0x0], $0xffff;
	(pc) =	sbr.rel @p1 .LBB2_19-.Ltmp9, $4  }
0x2f7: {  	v0 =	vld.idx.msk [tilespmem:v1+s23+$0x0], $0xffff  }
0x2f8: {  	s10 =	sadd.s32 $0x80, s10;
	v1 =	vld.idx.msk [tilespmem:v2+s23+$0x0], $0xffff  }
0x2f9: {  	v2 =	vld.idx.msk [tilespmem:v4+s23+$0x0], $0xffff;
	[tilespmem:s10+$0x30] =	vst v6  }
0x2fa: {  	s16 =	sadd.s32 $0x80, s16;
	v4 =	vld.idx.msk [tilespmem:v7+s23+$0x0], $0xffff;
	[tilespmem:s10+$0xFFFFFFD0] =	vst v8  }
0x2fb: {  	[tilespmem:s10+$0xFFFFFFE0] =	vst v5  }
0x2fc: {  	[tilespmem:s10+$0xFFFFFFF0] =	vst v3  }
0x2fd: {  	[tilespmem:s10+$0x0] =	vst v0  }
0x2fe: {  	[tilespmem:s10+$0x10] =	vst v1  }
0x2ff: {  	[tilespmem:s10+$0x20] =	vst v2  }
0x300: {  	[tilespmem:s10+$0xFFFFFFC0] =	vst v4  }
0x301: {  	[spmem:s11] =	stream.strided.scatter [tilespmem:s29], [sflag:$0x3], $0x800, s22, s21, $0x38;
	[tilespmem:$0x1F900] =	vst v63  }
0x302: {  	_ =	swait.ge [sflag:s26], $0x800  }
0x303: {  	[sflag:s26] =	ssyncset.done $0x0  }
0x304: {  	[sflag:s26] =	ssyncadd.s32 $0xFFFFF800  }
0x305: {  	_ =	swait.ge [sflag:s31], $0x800  }
0x306: {  	[sflag:s31] =	ssyncset.done $0x0  }
0x307: {  	s17 =	simm.s32 $0x1CF40;
	[sflag:s31] =	ssyncadd.s32 $0xFFFFF800  }
0x308: {  	v0 =	vld [tilespmem:s17+$0x30]  }
0x309: {  	v1 =	vld [tilespmem:s17+$0xFFFFFFD0]  }
0x30a: {  	v2 =	vld [tilespmem:s17+$0xFFFFFFE0]  }
0x30b: {  	v3 =	vld [tilespmem:s17+$0xFFFFFFF0]  }
0x30c: {  	v4 =	vld [tilespmem:s17+$0x0]  }
0x30d: {  	v6 =	vld [tilespmem:s17+$0x10]  }
0x30e: {  	v7 =	vld [tilespmem:s17+$0x20]  }
0x30f: {  	v8 =	vld [tilespmem:s17+$0xFFFFFFC0]  }
0x310: {  	v9 =	vld.idx.msk [tilespmem:v0+s23+$0x0], $0xffff  }
0x311: {  	v10 =	vld.idx.msk [tilespmem:v1+s23+$0x0], $0xffff  }
0x312: {  	v5 =	vld.idx.msk [tilespmem:v2+s23+$0x0], $0xffff  }
0x313: {  	v3 =	vld.idx.msk [tilespmem:v3+s23+$0x0], $0xffff  }
0x314: {  	v0 =	vld.idx.msk [tilespmem:v4+s23+$0x0], $0xffff  }
0x315: {  	s10 =	simm.s32 $0x1DF40;
	v1 =	vld.idx.msk [tilespmem:v6+s23+$0x0], $0xffff  }
0x316: {  	v2 =	vld.idx.msk [tilespmem:v7+s23+$0x0], $0xffff;
	[tilespmem:s10+$0x30] =	vst v9  }
0x317: {  	s15 =	simm.s32 $0x0;
	s16 =	simm.s32 $0x1CFC0;
	v4 =	vld.idx.msk [tilespmem:v8+s23+$0x0], $0xffff;
	[tilespmem:s10+$0xFFFFFFD0] =	vst v10  }
.LBB2_21:
0x318: {  	v6 =	vld [tilespmem:s16+$0x30];
	s15 =	sadd.s32 $0x80, s15;
	[tilespmem:s10+$0xFFFFFFE0] =	vst v5  }
0x319: {  	v5 =	vld [tilespmem:s16+$0xFFFFFFD0];
	p1 =	slt.u32 s15, $0x780;
	[tilespmem:s10+$0xFFFFFFF0] =	vst v3  }
0x31a: {  	v3 =	vld [tilespmem:s16+$0xFFFFFFE0];
	[tilespmem:s10+$0x0] =	vst v0  }
0x31b: {  	v0 =	vld [tilespmem:s16+$0xFFFFFFF0];
	[tilespmem:s10+$0x10] =	vst v1  }
0x31c: {  	v1 =	vld [tilespmem:s16+$0x0];
	[tilespmem:s10+$0x20] =	vst v2  }
0x31d: {  	v2 =	vld [tilespmem:s16+$0x10];
	[tilespmem:s10+$0xFFFFFFC0] =	vst v4  }
0x31e: {  	v4 =	vld [tilespmem:s16+$0x20]  }
0x31f: {  	v7 =	vld [tilespmem:s16+$0xFFFFFFC0]  }
0x320: {  	v6 =	vld.idx.msk [tilespmem:v6+s23+$0x0], $0xffff  }
0x321: {  	v8 =	vld.idx.msk [tilespmem:v5+s23+$0x0], $0xffff  }
0x322: {  	v5 =	vld.idx.msk [tilespmem:v3+s23+$0x0], $0xffff  }
.Ltmp10:
0x323: {  	v3 =	vld.idx.msk [tilespmem:v0+s23+$0x0], $0xffff;
	(pc) =	sbr.rel @p1 .LBB2_21-.Ltmp10, $4  }
0x324: {  	v0 =	vld.idx.msk [tilespmem:v1+s23+$0x0], $0xffff  }
0x325: {  	s10 =	sadd.s32 $0x80, s10;
	v1 =	vld.idx.msk [tilespmem:v2+s23+$0x0], $0xffff  }
0x326: {  	v2 =	vld.idx.msk [tilespmem:v4+s23+$0x0], $0xffff;
	[tilespmem:s10+$0x30] =	vst v6  }
0x327: {  	s16 =	sadd.s32 $0x80, s16;
	v4 =	vld.idx.msk [tilespmem:v7+s23+$0x0], $0xffff;
	[tilespmem:s10+$0xFFFFFFD0] =	vst v8  }
0x328: {  	[tilespmem:s10+$0xFFFFFFE0] =	vst v5  }
0x329: {  	[tilespmem:s10+$0xFFFFFFF0] =	vst v3  }
0x32a: {  	[tilespmem:s10+$0x0] =	vst v0  }
0x32b: {  	[tilespmem:s10+$0x10] =	vst v1  }
0x32c: {  	[tilespmem:s10+$0x20] =	vst v2  }
0x32d: {  	[tilespmem:s10+$0xFFFFFFC0] =	vst v4  }
0x32e: {  	[spmem:s12] =	stream.strided.scatter [tilespmem:s30], [sflag:$0x3], $0x800, s22, s21, $0x38;
	[tilespmem:$0x1F900] =	vst v63  }
0x32f: {  	_ =	swait.ge [sflag:s31], $0x800  }
0x330: {  	[sflag:s31] =	ssyncset.done $0x0  }
0x331: {  	[sflag:s31] =	ssyncadd.s32 $0xFFFFF800  }
0x332: {  	_ =	swait.ge [sflag:s31], $0x800  }
0x333: {  	[sflag:s31] =	ssyncset.done $0x0  }
0x334: {  	[sflag:s31] =	ssyncadd.s32 $0xFFFFF800  }
.LBB2_23:
0x335: {  	[bflag:$0x0] =	sbarrier.arrive $0xFFFF;
	s10 =	sadd.s32 $0x0, s13  }
0x336: {  	[tilespmem:s1], [sflag:$0x4] =	stream.strided.gather [spmem:s10], $0x1000, s0, s22, $0x38;
	[tilespmem:$0x1F900] =	vst v63  }
0x337: {  	_ =	swait.ge [sflag:s5], $0x1000  }
0x338: {  	[sflag:s5] =	ssyncset.done $0x0  }
0x339: {  	[sflag:s5] =	ssyncadd.s32 $0xFFFFF000  }
0x33a: {  	v0 =	vld [tilespmem:s3+$0x1E700]  }
0x33b: {  	v1 =	vld [tilespmem:s3+$0x1E800];
	_ =	sdelay $0x1  }
0x33c: {  	v2 =	vld [tilespmem:s3+$0x1E900];
	_ =	sdelay $0x1  }
0x33d: {  	v3 =	vld [tilespmem:s3+$0x1EA00]  }
0x33e: {  	v0 =	vadd.f32 v1, v0  }
0x33f: {  	v1 =	vld [tilespmem:s3+$0x1EB00]  }
0x340: {  	v0 =	vadd.f32 v2, v0  }
0x341: {  	v2 =	vld [tilespmem:s3+$0x1EC00]  }
0x342: {  	v0 =	vadd.f32 v3, v0  }
0x343: {  	v3 =	vld [tilespmem:s3+$0x1ED00]  }
0x344: {  	v0 =	vadd.f32 v1, v0  }
0x345: {  	v1 =	vld [tilespmem:s3+$0x1EE00]  }
0x346: {  	v0 =	vadd.f32 v2, v0  }
0x347: {  	v2 =	vld [tilespmem:s3+$0x1EF00]  }
0x348: {  	v0 =	vadd.f32 v3, v0  }
0x349: {  	v3 =	vld [tilespmem:s3+$0x1F000]  }
0x34a: {  	v0 =	vadd.f32 v1, v0  }
0x34b: {  	v1 =	vld [tilespmem:s3+$0x1F100]  }
0x34c: {  	v0 =	vadd.f32 v2, v0  }
0x34d: {  	v2 =	vld [tilespmem:s3+$0x1F200]  }
0x34e: {  	v0 =	vadd.f32 v3, v0  }
0x34f: {  	v3 =	vld [tilespmem:s3+$0x1F300]  }
0x350: {  	v0 =	vadd.f32 v1, v0;
	_ =	sdelay $0x1  }
0x351: {  	v0 =	vadd.f32 v2, v0;
	_ =	sdelay $0x1  }
0x352: {  	v0 =	vadd.f32 v3, v0  }
0x353: {  	s10 =	simm.s32 $0x1F740  }
0x354: {  	[tilespmem:s10+$0xFFFFFFC0] =	vst v0  }
0x355: {  	v0 =	vld [tilespmem:s3+$0x1E710]  }
0x356: {  	v1 =	vld [tilespmem:s3+$0x1E810];
	_ =	sdelay $0x1  }
0x357: {  	v2 =	vld [tilespmem:s3+$0x1E910];
	_ =	sdelay $0x1  }
0x358: {  	v3 =	vld [tilespmem:s3+$0x1EA10]  }
0x359: {  	v0 =	vadd.f32 v1, v0  }
0x35a: {  	v1 =	vld [tilespmem:s3+$0x1EB10]  }
0x35b: {  	v0 =	vadd.f32 v2, v0  }
0x35c: {  	v2 =	vld [tilespmem:s3+$0x1EC10]  }
0x35d: {  	v0 =	vadd.f32 v3, v0  }
0x35e: {  	v3 =	vld [tilespmem:s3+$0x1ED10]  }
0x35f: {  	v0 =	vadd.f32 v1, v0  }
0x360: {  	v1 =	vld [tilespmem:s3+$0x1EE10]  }
0x361: {  	v0 =	vadd.f32 v2, v0  }
0x362: {  	v2 =	vld [tilespmem:s3+$0x1EF10]  }
0x363: {  	v0 =	vadd.f32 v3, v0  }
0x364: {  	v3 =	vld [tilespmem:s3+$0x1F010]  }
0x365: {  	v0 =	vadd.f32 v1, v0  }
0x366: {  	v1 =	vld [tilespmem:s3+$0x1F110]  }
0x367: {  	v0 =	vadd.f32 v2, v0  }
0x368: {  	v2 =	vld [tilespmem:s3+$0x1F210]  }
0x369: {  	v0 =	vadd.f32 v3, v0  }
0x36a: {  	v3 =	vld [tilespmem:s3+$0x1F310]  }
0x36b: {  	v0 =	vadd.f32 v1, v0;
	_ =	sdelay $0x1  }
0x36c: {  	v0 =	vadd.f32 v2, v0;
	_ =	sdelay $0x1  }
0x36d: {  	v0 =	vadd.f32 v3, v0;
	_ =	sdelay $0x1  }
0x36e: {  	[tilespmem:s10+$0xFFFFFFD0] =	vst v0  }
0x36f: {  	v0 =	vld [tilespmem:s3+$0x1E720]  }
0x370: {  	v1 =	vld [tilespmem:s3+$0x1E820];
	_ =	sdelay $0x1  }
0x371: {  	v2 =	vld [tilespmem:s3+$0x1E920];
	_ =	sdelay $0x1  }
0x372: {  	v3 =	vld [tilespmem:s3+$0x1EA20]  }
0x373: {  	v0 =	vadd.f32 v1, v0  }
0x374: {  	v1 =	vld [tilespmem:s3+$0x1EB20]  }
0x375: {  	v0 =	vadd.f32 v2, v0  }
0x376: {  	v2 =	vld [tilespmem:s3+$0x1EC20]  }
0x377: {  	v0 =	vadd.f32 v3, v0  }
0x378: {  	v3 =	vld [tilespmem:s3+$0x1ED20]  }
0x379: {  	v0 =	vadd.f32 v1, v0  }
0x37a: {  	v1 =	vld [tilespmem:s3+$0x1EE20]  }
0x37b: {  	v0 =	vadd.f32 v2, v0  }
0x37c: {  	v2 =	vld [tilespmem:s3+$0x1EF20]  }
0x37d: {  	v0 =	vadd.f32 v3, v0  }
0x37e: {  	v3 =	vld [tilespmem:s3+$0x1F020]  }
0x37f: {  	v0 =	vadd.f32 v1, v0  }
0x380: {  	v1 =	vld [tilespmem:s3+$0x1F120]  }
0x381: {  	v0 =	vadd.f32 v2, v0  }
0x382: {  	v2 =	vld [tilespmem:s3+$0x1F220]  }
0x383: {  	v0 =	vadd.f32 v3, v0  }
0x384: {  	v3 =	vld [tilespmem:s3+$0x1F320]  }
0x385: {  	v0 =	vadd.f32 v1, v0;
	_ =	sdelay $0x1  }
0x386: {  	v0 =	vadd.f32 v2, v0;
	_ =	sdelay $0x1  }
0x387: {  	v0 =	vadd.f32 v3, v0;
	_ =	sdelay $0x1  }
0x388: {  	[tilespmem:s10+$0xFFFFFFE0] =	vst v0  }
0x389: {  	v0 =	vld [tilespmem:s3+$0x1E730]  }
0x38a: {  	v1 =	vld [tilespmem:s3+$0x1E830];
	_ =	sdelay $0x1  }
0x38b: {  	v2 =	vld [tilespmem:s3+$0x1E930];
	_ =	sdelay $0x1  }
0x38c: {  	v3 =	vld [tilespmem:s3+$0x1EA30]  }
0x38d: {  	v0 =	vadd.f32 v1, v0  }
0x38e: {  	v1 =	vld [tilespmem:s3+$0x1EB30]  }
0x38f: {  	v0 =	vadd.f32 v2, v0  }
0x390: {  	v2 =	vld [tilespmem:s3+$0x1EC30]  }
0x391: {  	v0 =	vadd.f32 v3, v0  }
0x392: {  	v3 =	vld [tilespmem:s3+$0x1ED30]  }
0x393: {  	v0 =	vadd.f32 v1, v0  }
0x394: {  	v1 =	vld [tilespmem:s3+$0x1EE30]  }
0x395: {  	v0 =	vadd.f32 v2, v0  }
0x396: {  	v2 =	vld [tilespmem:s3+$0x1EF30]  }
0x397: {  	v0 =	vadd.f32 v3, v0  }
0x398: {  	v3 =	vld [tilespmem:s3+$0x1F030]  }
0x399: {  	v0 =	vadd.f32 v1, v0  }
0x39a: {  	v1 =	vld [tilespmem:s3+$0x1F130]  }
0x39b: {  	v0 =	vadd.f32 v2, v0  }
0x39c: {  	v2 =	vld [tilespmem:s3+$0x1F230]  }
0x39d: {  	v0 =	vadd.f32 v3, v0  }
0x39e: {  	v3 =	vld [tilespmem:s3+$0x1F330]  }
0x39f: {  	v0 =	vadd.f32 v1, v0;
	_ =	sdelay $0x1  }
0x3a0: {  	v0 =	vadd.f32 v2, v0;
	_ =	sdelay $0x1  }
0x3a1: {  	v0 =	vadd.f32 v3, v0;
	_ =	sdelay $0x1  }
0x3a2: {  	[tilespmem:s10+$0xFFFFFFF0] =	vst v0  }
0x3a3: {  	v0 =	vld [tilespmem:s3+$0x1E740]  }
0x3a4: {  	v1 =	vld [tilespmem:s3+$0x1E840];
	_ =	sdelay $0x1  }
0x3a5: {  	v2 =	vld [tilespmem:s3+$0x1E940];
	_ =	sdelay $0x1  }
0x3a6: {  	v3 =	vld [tilespmem:s3+$0x1EA40]  }
0x3a7: {  	v0 =	vadd.f32 v1, v0  }
0x3a8: {  	v1 =	vld [tilespmem:s3+$0x1EB40]  }
0x3a9: {  	v0 =	vadd.f32 v2, v0  }
0x3aa: {  	v2 =	vld [tilespmem:s3+$0x1EC40]  }
0x3ab: {  	v0 =	vadd.f32 v3, v0  }
0x3ac: {  	v3 =	vld [tilespmem:s3+$0x1ED40]  }
0x3ad: {  	v0 =	vadd.f32 v1, v0  }
0x3ae: {  	v1 =	vld [tilespmem:s3+$0x1EE40]  }
0x3af: {  	v0 =	vadd.f32 v2, v0  }
0x3b0: {  	v2 =	vld [tilespmem:s3+$0x1EF40]  }
0x3b1: {  	v0 =	vadd.f32 v3, v0  }
0x3b2: {  	v3 =	vld [tilespmem:s3+$0x1F040]  }
0x3b3: {  	v0 =	vadd.f32 v1, v0  }
0x3b4: {  	v1 =	vld [tilespmem:s3+$0x1F140]  }
0x3b5: {  	v0 =	vadd.f32 v2, v0  }
0x3b6: {  	v2 =	vld [tilespmem:s3+$0x1F240]  }
0x3b7: {  	v0 =	vadd.f32 v3, v0  }
0x3b8: {  	v3 =	vld [tilespmem:s3+$0x1F340]  }
0x3b9: {  	v0 =	vadd.f32 v1, v0;
	_ =	sdelay $0x1  }
0x3ba: {  	v0 =	vadd.f32 v2, v0;
	_ =	sdelay $0x1  }
0x3bb: {  	v0 =	vadd.f32 v3, v0;
	_ =	sdelay $0x1  }
0x3bc: {  	[tilespmem:s10+$0x0] =	vst v0  }
0x3bd: {  	v0 =	vld [tilespmem:s3+$0x1E750]  }
0x3be: {  	v1 =	vld [tilespmem:s3+$0x1E850];
	_ =	sdelay $0x1  }
0x3bf: {  	v2 =	vld [tilespmem:s3+$0x1E950];
	_ =	sdelay $0x1  }
0x3c0: {  	v3 =	vld [tilespmem:s3+$0x1EA50]  }
0x3c1: {  	v0 =	vadd.f32 v1, v0  }
0x3c2: {  	v1 =	vld [tilespmem:s3+$0x1EB50]  }
0x3c3: {  	v0 =	vadd.f32 v2, v0  }
0x3c4: {  	v2 =	vld [tilespmem:s3+$0x1EC50]  }
0x3c5: {  	v0 =	vadd.f32 v3, v0  }
0x3c6: {  	v3 =	vld [tilespmem:s3+$0x1ED50]  }
0x3c7: {  	v0 =	vadd.f32 v1, v0  }
0x3c8: {  	v1 =	vld [tilespmem:s3+$0x1EE50]  }
0x3c9: {  	v0 =	vadd.f32 v2, v0  }
0x3ca: {  	v2 =	vld [tilespmem:s3+$0x1EF50]  }
0x3cb: {  	v0 =	vadd.f32 v3, v0  }
0x3cc: {  	v3 =	vld [tilespmem:s3+$0x1F050]  }
0x3cd: {  	v0 =	vadd.f32 v1, v0  }
0x3ce: {  	v1 =	vld [tilespmem:s3+$0x1F150]  }
0x3cf: {  	v0 =	vadd.f32 v2, v0  }
0x3d0: {  	v2 =	vld [tilespmem:s3+$0x1F250]  }
0x3d1: {  	v0 =	vadd.f32 v3, v0  }
0x3d2: {  	v3 =	vld [tilespmem:s3+$0x1F350]  }
0x3d3: {  	v0 =	vadd.f32 v1, v0;
	_ =	sdelay $0x1  }
0x3d4: {  	v0 =	vadd.f32 v2, v0;
	_ =	sdelay $0x1  }
0x3d5: {  	v0 =	vadd.f32 v3, v0;
	_ =	sdelay $0x1  }
0x3d6: {  	[tilespmem:s10+$0x10] =	vst v0  }
0x3d7: {  	v0 =	vld [tilespmem:s3+$0x1E760]  }
0x3d8: {  	v1 =	vld [tilespmem:s3+$0x1E860];
	_ =	sdelay $0x1  }
0x3d9: {  	v2 =	vld [tilespmem:s3+$0x1E960];
	_ =	sdelay $0x1  }
0x3da: {  	v3 =	vld [tilespmem:s3+$0x1EA60]  }
0x3db: {  	v0 =	vadd.f32 v1, v0  }
0x3dc: {  	v1 =	vld [tilespmem:s3+$0x1EB60]  }
0x3dd: {  	v0 =	vadd.f32 v2, v0  }
0x3de: {  	v2 =	vld [tilespmem:s3+$0x1EC60]  }
0x3df: {  	v0 =	vadd.f32 v3, v0  }
0x3e0: {  	v3 =	vld [tilespmem:s3+$0x1ED60]  }
0x3e1: {  	v0 =	vadd.f32 v1, v0  }
0x3e2: {  	v1 =	vld [tilespmem:s3+$0x1EE60]  }
0x3e3: {  	v0 =	vadd.f32 v2, v0  }
0x3e4: {  	v2 =	vld [tilespmem:s3+$0x1EF60]  }
0x3e5: {  	v0 =	vadd.f32 v3, v0  }
0x3e6: {  	v3 =	vld [tilespmem:s3+$0x1F060]  }
0x3e7: {  	v0 =	vadd.f32 v1, v0  }
0x3e8: {  	v1 =	vld [tilespmem:s3+$0x1F160]  }
0x3e9: {  	v0 =	vadd.f32 v2, v0  }
0x3ea: {  	v2 =	vld [tilespmem:s3+$0x1F260]  }
0x3eb: {  	v0 =	vadd.f32 v3, v0  }
0x3ec: {  	v3 =	vld [tilespmem:s3+$0x1F360]  }
0x3ed: {  	v0 =	vadd.f32 v1, v0;
	_ =	sdelay $0x1  }
0x3ee: {  	v0 =	vadd.f32 v2, v0;
	_ =	sdelay $0x1  }
0x3ef: {  	v0 =	vadd.f32 v3, v0;
	_ =	sdelay $0x1  }
0x3f0: {  	[tilespmem:s10+$0x20] =	vst v0  }
0x3f1: {  	v0 =	vld [tilespmem:s3+$0x1E770]  }
0x3f2: {  	v1 =	vld [tilespmem:s3+$0x1E870];
	_ =	sdelay $0x1  }
0x3f3: {  	v2 =	vld [tilespmem:s3+$0x1E970];
	_ =	sdelay $0x1  }
0x3f4: {  	v3 =	vld [tilespmem:s3+$0x1EA70]  }
0x3f5: {  	v0 =	vadd.f32 v1, v0  }
0x3f6: {  	v1 =	vld [tilespmem:s3+$0x1EB70]  }
0x3f7: {  	v0 =	vadd.f32 v2, v0  }
0x3f8: {  	v2 =	vld [tilespmem:s3+$0x1EC70]  }
0x3f9: {  	v0 =	vadd.f32 v3, v0  }
0x3fa: {  	v3 =	vld [tilespmem:s3+$0x1ED70]  }
0x3fb: {  	v0 =	vadd.f32 v1, v0  }
0x3fc: {  	v4 =	vld [tilespmem:s3+$0x1EE70]  }
0x3fd: {  	v0 =	vadd.f32 v2, v0  }
0x3fe: {  	v5 =	vld [tilespmem:s3+$0x1EF70]  }
0x3ff: {  	v2 =	vadd.f32 v3, v0  }
0x400: {  	v1 =	vld [tilespmem:s3+$0x1F170]  }
0x401: {  	v0 =	vld [tilespmem:s3+$0x1F070];
	v4 =	vadd.f32 v4, v2  }
0x402: {  	v3 =	vld [tilespmem:s3+$0x1F370]  }
0x403: {  	s16 =	simm.s32 $0x1000;
	s15 =	simm.s32 $0x1F740;
	v2 =	vld [tilespmem:s3+$0x1F270];
	v4 =	vadd.f32 v5, v4  }
.LBB2_24:
0x404: {  	p1 =	sne.s32 s16, $0x3000  }
0x405: {  	s10 =	sadd.s32 $0x80, s10;
	s17 =	smov.u32 s16;
	s16 =	sadd.s32 $0x1000, s16  }
0x406: {  	v0 =	vadd.f32 v0, v4;
	_ =	sdelay $0x1  }
0x407: {  	v0 =	vadd.f32 v1, v0;
	_ =	sdelay $0x1  }
0x408: {  	v0 =	vadd.f32 v2, v0;
	_ =	sdelay $0x1  }
0x409: {  	s17 =	sshra.s32 s17, $0x2;
	v0 =	vadd.f32 v3, v0  }
0x40a: {  	s17 =	sadd.s32 s17, s13  }
0x40b: {  	[tilespmem:s15+$0x30] =	vst v0;
	s15 =	smov.u32 s10  }
0x40c: {  	[tilespmem:s1], [sflag:$0x4] =	stream.strided.gather [spmem:s17], $0x1000, s0, s22, $0x38;
	[tilespmem:$0x1F900] =	vst v63  }
0x40d: {  	_ =	swait.ge [sflag:s5], $0x1000  }
0x40e: {  	[sflag:s5] =	ssyncset.done $0x0  }
0x40f: {  	[sflag:s5] =	ssyncadd.s32 $0xFFFFF000  }
0x410: {  	v0 =	vld [tilespmem:s3+$0x1E700]  }
0x411: {  	v1 =	vld [tilespmem:s3+$0x1E800]  }
0x412: {  	v2 =	vld [tilespmem:s3+$0x1EA00]  }
0x413: {  	v3 =	vld [tilespmem:s3+$0x1E900];
	_ =	sdelay $0x2  }
0x414: {  	v0 =	vadd.f32 v1, v0  }
0x415: {  	v1 =	vld [tilespmem:s3+$0x1EB00]  }
0x416: {  	v0 =	vadd.f32 v3, v0  }
0x417: {  	v3 =	vld [tilespmem:s3+$0x1EC00]  }
0x418: {  	v0 =	vadd.f32 v2, v0  }
0x419: {  	v2 =	vld [tilespmem:s3+$0x1ED00]  }
0x41a: {  	v0 =	vadd.f32 v1, v0  }
0x41b: {  	v1 =	vld [tilespmem:s3+$0x1EE00]  }
0x41c: {  	v0 =	vadd.f32 v3, v0  }
0x41d: {  	v3 =	vld [tilespmem:s3+$0x1EF00]  }
0x41e: {  	v0 =	vadd.f32 v2, v0  }
0x41f: {  	v2 =	vld [tilespmem:s3+$0x1F000]  }
0x420: {  	v0 =	vadd.f32 v1, v0  }
0x421: {  	v1 =	vld [tilespmem:s3+$0x1F100]  }
0x422: {  	v0 =	vadd.f32 v3, v0  }
0x423: {  	v3 =	vld [tilespmem:s3+$0x1F200]  }
0x424: {  	v0 =	vadd.f32 v2, v0  }
0x425: {  	v2 =	vld [tilespmem:s3+$0x1F300]  }
0x426: {  	v0 =	vadd.f32 v1, v0;
	_ =	sdelay $0x1  }
0x427: {  	v0 =	vadd.f32 v3, v0;
	_ =	sdelay $0x1  }
0x428: {  	v0 =	vadd.f32 v2, v0;
	_ =	sdelay $0x1  }
0x429: {  	[tilespmem:s10+$0xFFFFFFC0] =	vst v0  }
0x42a: {  	v0 =	vld [tilespmem:s3+$0x1E710]  }
0x42b: {  	v1 =	vld [tilespmem:s3+$0x1E810];
	_ =	sdelay $0x1  }
0x42c: {  	v2 =	vld [tilespmem:s3+$0x1E910];
	_ =	sdelay $0x1  }
0x42d: {  	v3 =	vld [tilespmem:s3+$0x1EA10]  }
0x42e: {  	v0 =	vadd.f32 v1, v0  }
0x42f: {  	v1 =	vld [tilespmem:s3+$0x1EB10]  }
0x430: {  	v0 =	vadd.f32 v2, v0  }
0x431: {  	v2 =	vld [tilespmem:s3+$0x1EC10]  }
0x432: {  	v0 =	vadd.f32 v3, v0  }
0x433: {  	v3 =	vld [tilespmem:s3+$0x1ED10]  }
0x434: {  	v0 =	vadd.f32 v1, v0  }
0x435: {  	v1 =	vld [tilespmem:s3+$0x1EE10]  }
0x436: {  	v0 =	vadd.f32 v2, v0  }
0x437: {  	v2 =	vld [tilespmem:s3+$0x1EF10]  }
0x438: {  	v0 =	vadd.f32 v3, v0  }
0x439: {  	v3 =	vld [tilespmem:s3+$0x1F010]  }
0x43a: {  	v0 =	vadd.f32 v1, v0  }
0x43b: {  	v1 =	vld [tilespmem:s3+$0x1F110]  }
0x43c: {  	v0 =	vadd.f32 v2, v0  }
0x43d: {  	v2 =	vld [tilespmem:s3+$0x1F210]  }
0x43e: {  	v0 =	vadd.f32 v3, v0  }
0x43f: {  	v3 =	vld [tilespmem:s3+$0x1F310]  }
0x440: {  	v0 =	vadd.f32 v1, v0;
	_ =	sdelay $0x1  }
0x441: {  	v0 =	vadd.f32 v2, v0;
	_ =	sdelay $0x1  }
0x442: {  	v0 =	vadd.f32 v3, v0;
	_ =	sdelay $0x1  }
0x443: {  	[tilespmem:s10+$0xFFFFFFD0] =	vst v0  }
0x444: {  	v0 =	vld [tilespmem:s3+$0x1E720]  }
0x445: {  	v1 =	vld [tilespmem:s3+$0x1E820]  }
0x446: {  	v2 =	vld [tilespmem:s3+$0x1E920];
	_ =	sdelay $0x2  }
0x447: {  	v3 =	vld [tilespmem:s3+$0x1EA20]  }
0x448: {  	v0 =	vadd.f32 v1, v0  }
0x449: {  	v1 =	vld [tilespmem:s3+$0x1EB20]  }
0x44a: {  	v0 =	vadd.f32 v2, v0  }
0x44b: {  	v2 =	vld [tilespmem:s3+$0x1EC20]  }
0x44c: {  	v0 =	vadd.f32 v3, v0  }
0x44d: {  	v3 =	vld [tilespmem:s3+$0x1ED20]  }
0x44e: {  	v0 =	vadd.f32 v1, v0  }
0x44f: {  	v1 =	vld [tilespmem:s3+$0x1EE20]  }
0x450: {  	v0 =	vadd.f32 v2, v0  }
0x451: {  	v2 =	vld [tilespmem:s3+$0x1EF20]  }
0x452: {  	v0 =	vadd.f32 v3, v0  }
0x453: {  	v3 =	vld [tilespmem:s3+$0x1F020]  }
0x454: {  	v0 =	vadd.f32 v1, v0  }
0x455: {  	v1 =	vld [tilespmem:s3+$0x1F120]  }
0x456: {  	v0 =	vadd.f32 v2, v0  }
0x457: {  	v2 =	vld [tilespmem:s3+$0x1F220]  }
0x458: {  	v0 =	vadd.f32 v3, v0  }
0x459: {  	v3 =	vld [tilespmem:s3+$0x1F320]  }
0x45a: {  	v0 =	vadd.f32 v1, v0;
	_ =	sdelay $0x1  }
0x45b: {  	v0 =	vadd.f32 v2, v0;
	_ =	sdelay $0x1  }
0x45c: {  	v0 =	vadd.f32 v3, v0;
	_ =	sdelay $0x1  }
0x45d: {  	[tilespmem:s10+$0xFFFFFFE0] =	vst v0  }
0x45e: {  	v0 =	vld [tilespmem:s3+$0x1E730]  }
0x45f: {  	v1 =	vld [tilespmem:s3+$0x1E830]  }
0x460: {  	v2 =	vld [tilespmem:s3+$0x1E930];
	_ =	sdelay $0x2  }
0x461: {  	v3 =	vld [tilespmem:s3+$0x1EA30]  }
0x462: {  	v0 =	vadd.f32 v1, v0  }
0x463: {  	v1 =	vld [tilespmem:s3+$0x1EB30]  }
0x464: {  	v0 =	vadd.f32 v2, v0  }
0x465: {  	v2 =	vld [tilespmem:s3+$0x1EC30]  }
0x466: {  	v0 =	vadd.f32 v3, v0  }
0x467: {  	v3 =	vld [tilespmem:s3+$0x1ED30]  }
0x468: {  	v0 =	vadd.f32 v1, v0  }
0x469: {  	v1 =	vld [tilespmem:s3+$0x1EE30]  }
0x46a: {  	v0 =	vadd.f32 v2, v0  }
0x46b: {  	v2 =	vld [tilespmem:s3+$0x1EF30]  }
0x46c: {  	v0 =	vadd.f32 v3, v0  }
0x46d: {  	v3 =	vld [tilespmem:s3+$0x1F030]  }
0x46e: {  	v0 =	vadd.f32 v1, v0  }
0x46f: {  	v1 =	vld [tilespmem:s3+$0x1F130]  }
0x470: {  	v0 =	vadd.f32 v2, v0  }
0x471: {  	v2 =	vld [tilespmem:s3+$0x1F230]  }
0x472: {  	v0 =	vadd.f32 v3, v0  }
0x473: {  	v3 =	vld [tilespmem:s3+$0x1F330]  }
0x474: {  	v0 =	vadd.f32 v1, v0;
	_ =	sdelay $0x1  }
0x475: {  	v0 =	vadd.f32 v2, v0;
	_ =	sdelay $0x1  }
0x476: {  	v0 =	vadd.f32 v3, v0;
	_ =	sdelay $0x1  }
0x477: {  	[tilespmem:s10+$0xFFFFFFF0] =	vst v0  }
0x478: {  	v0 =	vld [tilespmem:s3+$0x1E740]  }
0x479: {  	v1 =	vld [tilespmem:s3+$0x1E840]  }
0x47a: {  	v2 =	vld [tilespmem:s3+$0x1E940]  }
0x47b: {  	v3 =	vld [tilespmem:s3+$0x1EA40]  }
0x47c: {  	v4 =	vld [tilespmem:s3+$0x1EB40]  }
0x47d: {  	v5 =	vld [tilespmem:s3+$0x1EC40]  }
0x47e: {  	v0 =	vadd.f32 v1, v0;
	v1 =	vld [tilespmem:s3+$0x1ED40]  }
0x47f: {  	v6 =	vld [tilespmem:s3+$0x1EE40]  }
0x480: {  	v0 =	vadd.f32 v2, v0;
	v2 =	vld [tilespmem:s3+$0x1EF40]  }
0x481: {  	v7 =	vld [tilespmem:s3+$0x1F040]  }
0x482: {  	v0 =	vadd.f32 v3, v0;
	v3 =	vld [tilespmem:s3+$0x1F140]  }
0x483: {  	v8 =	vld [tilespmem:s3+$0x1F240]  }
0x484: {  	v0 =	vadd.f32 v4, v0;
	v4 =	vld [tilespmem:s3+$0x1F340];
	_ =	sdelay $0x1  }
0x485: {  	v0 =	vadd.f32 v5, v0;
	_ =	sdelay $0x1  }
0x486: {  	v0 =	vadd.f32 v1, v0;
	_ =	sdelay $0x1  }
0x487: {  	v0 =	vadd.f32 v6, v0;
	_ =	sdelay $0x1  }
0x488: {  	v0 =	vadd.f32 v2, v0;
	_ =	sdelay $0x1  }
0x489: {  	v0 =	vadd.f32 v7, v0;
	_ =	sdelay $0x1  }
0x48a: {  	v0 =	vadd.f32 v3, v0;
	_ =	sdelay $0x1  }
0x48b: {  	v0 =	vadd.f32 v8, v0;
	_ =	sdelay $0x1  }
0x48c: {  	v0 =	vadd.f32 v4, v0;
	_ =	sdelay $0x1  }
0x48d: {  	[tilespmem:s10+$0x0] =	vst v0  }
0x48e: {  	v0 =	vld [tilespmem:s3+$0x1E750]  }
0x48f: {  	v1 =	vld [tilespmem:s3+$0x1E850]  }
0x490: {  	v2 =	vld [tilespmem:s3+$0x1E950]  }
0x491: {  	v3 =	vld [tilespmem:s3+$0x1EA50]  }
0x492: {  	v4 =	vld [tilespmem:s3+$0x1EB50]  }
0x493: {  	v5 =	vld [tilespmem:s3+$0x1EC50]  }
0x494: {  	v0 =	vadd.f32 v1, v0;
	v1 =	vld [tilespmem:s3+$0x1ED50]  }
0x495: {  	v6 =	vld [tilespmem:s3+$0x1EE50]  }
0x496: {  	v0 =	vadd.f32 v2, v0;
	v2 =	vld [tilespmem:s3+$0x1EF50]  }
0x497: {  	v7 =	vld [tilespmem:s3+$0x1F050]  }
0x498: {  	v0 =	vadd.f32 v3, v0;
	v3 =	vld [tilespmem:s3+$0x1F150]  }
0x499: {  	v8 =	vld [tilespmem:s3+$0x1F250]  }
0x49a: {  	v0 =	vadd.f32 v4, v0;
	v4 =	vld [tilespmem:s3+$0x1F350];
	_ =	sdelay $0x1  }
0x49b: {  	v0 =	vadd.f32 v5, v0;
	_ =	sdelay $0x1  }
0x49c: {  	v0 =	vadd.f32 v1, v0;
	_ =	sdelay $0x1  }
0x49d: {  	v0 =	vadd.f32 v6, v0;
	_ =	sdelay $0x1  }
0x49e: {  	v0 =	vadd.f32 v2, v0;
	_ =	sdelay $0x1  }
0x49f: {  	v0 =	vadd.f32 v7, v0;
	_ =	sdelay $0x1  }
0x4a0: {  	v0 =	vadd.f32 v3, v0;
	_ =	sdelay $0x1  }
0x4a1: {  	v0 =	vadd.f32 v8, v0;
	_ =	sdelay $0x1  }
0x4a2: {  	v0 =	vadd.f32 v4, v0;
	_ =	sdelay $0x1  }
0x4a3: {  	[tilespmem:s10+$0x10] =	vst v0  }
0x4a4: {  	v0 =	vld [tilespmem:s3+$0x1E760]  }
0x4a5: {  	v1 =	vld [tilespmem:s3+$0x1E860]  }
0x4a6: {  	v2 =	vld [tilespmem:s3+$0x1E960]  }
0x4a7: {  	v3 =	vld [tilespmem:s3+$0x1EA60]  }
0x4a8: {  	v4 =	vld [tilespmem:s3+$0x1EB60]  }
0x4a9: {  	v5 =	vld [tilespmem:s3+$0x1EC60]  }
0x4aa: {  	v0 =	vadd.f32 v1, v0;
	v1 =	vld [tilespmem:s3+$0x1ED60]  }
0x4ab: {  	v6 =	vld [tilespmem:s3+$0x1EE60]  }
0x4ac: {  	v0 =	vadd.f32 v2, v0;
	v2 =	vld [tilespmem:s3+$0x1EF60]  }
0x4ad: {  	v7 =	vld [tilespmem:s3+$0x1F060]  }
0x4ae: {  	v0 =	vadd.f32 v3, v0;
	v3 =	vld [tilespmem:s3+$0x1F160]  }
0x4af: {  	v8 =	vld [tilespmem:s3+$0x1F260]  }
0x4b0: {  	v0 =	vadd.f32 v4, v0;
	v4 =	vld [tilespmem:s3+$0x1F360];
	_ =	sdelay $0x1  }
0x4b1: {  	v0 =	vadd.f32 v5, v0;
	_ =	sdelay $0x1  }
0x4b2: {  	v0 =	vadd.f32 v1, v0;
	_ =	sdelay $0x1  }
0x4b3: {  	v0 =	vadd.f32 v6, v0;
	_ =	sdelay $0x1  }
0x4b4: {  	v0 =	vadd.f32 v2, v0;
	_ =	sdelay $0x1  }
0x4b5: {  	v0 =	vadd.f32 v7, v0;
	_ =	sdelay $0x1  }
0x4b6: {  	v0 =	vadd.f32 v3, v0;
	_ =	sdelay $0x1  }
0x4b7: {  	v0 =	vadd.f32 v8, v0;
	_ =	sdelay $0x1  }
0x4b8: {  	v0 =	vadd.f32 v4, v0;
	_ =	sdelay $0x1  }
0x4b9: {  	[tilespmem:s10+$0x20] =	vst v0  }
0x4ba: {  	v0 =	vld [tilespmem:s3+$0x1E770]  }
0x4bb: {  	v1 =	vld [tilespmem:s3+$0x1E870]  }
0x4bc: {  	v2 =	vld [tilespmem:s3+$0x1E970]  }
0x4bd: {  	v3 =	vld [tilespmem:s3+$0x1EA70]  }
0x4be: {  	v4 =	vld [tilespmem:s3+$0x1EB70]  }
0x4bf: {  	v5 =	vld [tilespmem:s3+$0x1EC70]  }
0x4c0: {  	v0 =	vadd.f32 v1, v0;
	v6 =	vld [tilespmem:s3+$0x1ED70]  }
0x4c1: {  	v7 =	vld [tilespmem:s3+$0x1EE70]  }
0x4c2: {  	v1 =	vadd.f32 v2, v0;
	v8 =	vld [tilespmem:s3+$0x1EF70]  }
0x4c3: {  	v0 =	vld [tilespmem:s3+$0x1F070]  }
0x4c4: {  	v3 =	vadd.f32 v3, v1;
	v1 =	vld [tilespmem:s3+$0x1F170]  }
0x4c5: {  	v2 =	vld [tilespmem:s3+$0x1F270]  }
0x4c6: {  	v4 =	vadd.f32 v4, v3;
	v3 =	vld [tilespmem:s3+$0x1F370];
	_ =	sdelay $0x1  }
0x4c7: {  	v4 =	vadd.f32 v5, v4;
	_ =	sdelay $0x1  }
.Ltmp11:
0x4c8: {  	v4 =	vadd.f32 v6, v4;
	(pc) =	sbr.rel @p1 .LBB2_24-.Ltmp11, $3  }
0x4c9: {  	_ = 	snop  }
0x4ca: {  	v4 =	vadd.f32 v7, v4;
	_ =	sdelay $0x1  }
0x4cb: {  	v4 =	vadd.f32 v8, v4  }
0x4cc: {  	_ = 	snop  }
0x4cd: {  	v0 =	vadd.f32 v0, v4;
	_ =	sdelay $0x1  }
0x4ce: {  	v0 =	vadd.f32 v1, v0;
	_ =	sdelay $0x1  }
0x4cf: {  	v0 =	vadd.f32 v2, v0;
	_ =	sdelay $0x1  }
0x4d0: {  	s2 =	sadd.s32 $0x1, s2;
	v0 =	vadd.f32 v3, v0  }
0x4d1: {  	p1 =	sne.s32 s2, s20  }
.Ltmp12:
0x4d2: {  	[tilespmem:s15+$0x30] =	vst v0;
	(pc) =	sbr.rel @p1 .LBB2_1-.Ltmp12, $4  }
0x4d3: {  	[hbm4b:s19+s21] =	stream.strided.scatter [tilespmem:s8], [sflag:$0x4], $0x200, s6, s21, $0x38;
	[tilespmem:$0x1F900] =	vst v63  }
0x4d4: {  	_ =	swait.ge [sflag:s5], $0x200  }
0x4d5: {  	[sflag:s5] =	ssyncset.done $0x0  }
0x4d6: {  	[sflag:s5] =	ssyncadd.s32 $0xFFFFFE00  }
0x4d7: {  	_ =	sfence.sel $0x180000  }
0x4d8: {  	[bflag:$0x0] =	sbarrier.arrive $0xFFFF  }
0x4d9: {  	_ =	strace $0x90000047  }
0x4da: {  	s0 =	stileid.u32;
	[bflag:$0x2] =	sbarrier.arrive $0xFFFF  }
0x4db: {  	p0 =	sne.s32 s0, $0x0;
	s0 =	rddreg [dreg:$0x3]  }
0x4dc: {  	s0 =	sadd.s32 @!p0 $0x100000, s0  }
0x4dd: {  	[sflag:s0] =	ssyncadd.tile.s32 @!p0 $0x1;
	_ =	shalt  }
.Lfunc_end2:
_tile_overlayer_lowered:
.L_overlay_start_2:
0x4de: {  	(tag) =	ssettag $0x2  }
0x4df: {  	s0 =	rddreg [dreg:$0x0];
	s2 =	stileid.u32  }
0x4e0: {  	s1 =	rddreg [dreg:$0x1];
	p0 =	sne.s32 s2, $0x0  }
0x4e1: {  	s3 =	rddreg [dreg:$0x2];
	[bflag:$0x3] =	sbarrier.arrive $0xFFFF;
	s2 =	simm.s32 @!p0 $0x1C04  }
0x4e2: {  	[timem:s3], [sflag:s2] =	dma.local @!p0 [hbm:s0], s1  }
0x4e3: {  	s0 =	simm.s32 @!p0 $0x4  }
0x4e4: {  	_ =	swait.ge @!p0 [sflag:s0], s1  }
0x4e5: {  	s1 =	ssub.s32 @!p0 $0x0, s1;
	[sflag:s0] =	ssyncset.done @!p0 $0x0  }
0x4e6: {  	[sflag:s0] =	ssyncadd.s32 @!p0 s1  }
0x4e7: {  	[bflag:$0x3] =	sbarrier.arrive $0xFFFF  }
0x4e8: {  	_ =	shalt  }

</sc_bundles>
